<compile_context>
chip_gen: v7x
topology: tpu7x:2x2x1
jax: 0.10.2.dev20260603
libtpu: 0.0.44.dev20260713+nightly
codegen_flags: <defaults>
</compile_context>

<pallas_src>
import dataclasses

import jax
import jax.numpy as jnp
from jax import lax
from jax.experimental import pallas as pl
from jax.experimental.pallas import tpu as pltpu
from jax.experimental.pallas import tpu_sc as plsc

NC = 2
NS = 16
NW = NC * NS
LANES = 16
N = 10000
NP = 10240
F = 128
FPT = F // NW


def _sc_mesh():
    return plsc.VectorSubcoreMesh(core_axis_name="c", subcore_axis_name="s")


def _sc_compiler_params():
    cp = pltpu.CompilerParams()
    fields = pltpu.CompilerParams.__dataclass_fields__
    if "needs_layout_passes" in fields:
        cp = dataclasses.replace(cp, needs_layout_passes=False)
    if "use_tc_tiling_on_sc" in fields:
        cp = dataclasses.replace(cp, use_tc_tiling_on_sc=False)
    return cp


@jax.jit
def _sc_deg(sd, ew):
    E = sd.shape[0]
    per_tile = E // NW
    rmain = 624
    tail = N - rmain * NS
    rbig = rmain + tail

    @pl.kernel(
        out_type=jax.ShapeDtypeStruct((NC, N, LANES), jnp.float32),
        mesh=_sc_mesh(),
        scratch_types=[
            pltpu.VMEM((per_tile,), jnp.int32),
            pltpu.VMEM((per_tile,), jnp.float32),
            pltpu.VMEM((N,), jnp.float32),
            pltpu.VMEM((LANES, rbig), jnp.float32),
            pltpu.VMEM((rbig, LANES), jnp.float32),
            pltpu.VMEM_SHARED((LANES, N), jnp.float32),
        ],
        compiler_params=_sc_compiler_params(),
    )
    def deg_kernel(sd_hbm, ew_hbm, out_hbm, sd_v, ew_v, part, slab, rows, stage):
        c = lax.axis_index("c")
        s = lax.axis_index("s")
        wid = c * NS + s
        zero = jnp.zeros((LANES,), jnp.float32)
        iota = lax.broadcasted_iota(jnp.int32, (LANES,), 0)
        c16 = jnp.full((LANES,), 16, jnp.int32)

        @pl.loop(0, N, step=LANES)
        def _(i):
            part[pl.ds(i, LANES)] = zero

        @pl.loop(0, rbig)
        def _(r):
            rows[r, pl.ds(0, LANES)] = zero

        pltpu.sync_copy(sd_hbm.at[pl.ds(wid * per_tile, per_tile)], sd_v)
        pltpu.sync_copy(ew_hbm.at[pl.ds(wid * per_tile, per_tile)], ew_v)

        @plsc.parallel_loop(0, per_tile, step=LANES, unroll=4)
        def _(k0):
            d16 = lax.shift_right_logical(sd_v[pl.ds(k0, LANES)], c16)
            w16 = ew_v[pl.ds(k0, LANES)]
            plsc.addupdate_scatter(part, [d16], w16)

        pltpu.sync_copy(part, stage.at[s])
        plsc.subcore_barrier()

        base = s * rmain
        pltpu.sync_copy(stage.at[pl.ds(0, LANES), pl.ds(base, rmain)],
                        slab.at[pl.ds(0, LANES), pl.ds(0, rmain)])

        @pl.when(s == NS - 1)
        def _():
            pltpu.sync_copy(stage.at[pl.ds(0, LANES), pl.ds(NS * rmain, tail)],
                            slab.at[pl.ds(0, LANES), pl.ds(rmain, tail)])

        def reduce_chunk(i):
            tot = slab[0, pl.ds(i, LANES)]
            for k in range(1, LANES):
                tot = tot + slab[k, pl.ds(i, LANES)]
            plsc.store_scatter(rows, [i + iota, jnp.zeros((LANES,), jnp.int32)],
                               tot)

        @pl.loop(0, rmain, step=LANES)
        def _(i):
            reduce_chunk(i)

        @pl.when(s == NS - 1)
        def _():
            reduce_chunk(rmain)

        pltpu.sync_copy(rows.at[pl.ds(0, rmain)],
                        out_hbm.at[c, pl.ds(base, rmain)])

        @pl.when(s == NS - 1)
        def _():
            pltpu.sync_copy(rows.at[pl.ds(rmain, tail)],
                            out_hbm.at[c, pl.ds(NS * rmain, tail)])

    return deg_kernel(sd, ew)


@jax.jit
def _sc_edge_agg(yt, sd, ew):
    E = sd.shape[0]
    K = 8000
    NCH = E // K

    @pl.kernel(
        out_type=jax.ShapeDtypeStruct((F, NP), jnp.float32),
        mesh=_sc_mesh(),
        scratch_types=[
            pltpu.VMEM((FPT // 2, NP), jnp.int32),
            pltpu.VMEM((FPT, NP), jnp.float32),
            pltpu.VMEM((2, K), jnp.int32),
            pltpu.VMEM((2, K), jnp.float32),
            pltpu.SemaphoreType.DMA,
            pltpu.SemaphoreType.DMA,
        ],
        compiler_params=_sc_compiler_params(),
    )
    def agg_kernel(yt_hbm, sd_hbm, ew_hbm, out_hbm,
                   slab, acc, sd_v, ew_v, sem0, sem1):
        c = lax.axis_index("c")
        s = lax.axis_index("s")
        g0 = (c * NS + s) * (FPT // 2)
        zero = jnp.zeros((LANES,), jnp.float32)
        sems = (sem0, sem1)
        c16 = jnp.full((LANES,), 16, jnp.int32)
        chi = jnp.full((LANES,), -65536, jnp.int32)
        clo = jnp.full((LANES,), 65535, jnp.int32)

        def chunk_copies(b, ci):
            e0 = ci * K
            return (
                pltpu.make_async_copy(sd_hbm.at[pl.ds(e0, K)],
                                      sd_v.at[b], sems[b]),
                pltpu.make_async_copy(ew_hbm.at[pl.ds(e0, K)],
                                      ew_v.at[b], sems[b]),
            )

        def start_set(b, ci):
            for cp in chunk_copies(b, ci):
                cp.start()

        def wait_set(b):
            for cp in chunk_copies(b, 0):
                cp.wait()

        def compute_set(b):
            @plsc.parallel_loop(0, K, step=LANES, unroll=4)
            def _(k0):
                sd16 = sd_v[b, pl.ds(k0, LANES)]
                s16 = jnp.bitwise_and(sd16, clo)
                d16 = lax.shift_right_logical(sd16, c16)
                w16 = ew_v[b, pl.ds(k0, LANES)]
                for p in range(FPT // 2):
                    wv = plsc.load_gather(slab.at[p], [s16])
                    vlo = plsc.bitcast(jnp.left_shift(wv, c16), jnp.float32)
                    vhi = plsc.bitcast(jnp.bitwise_and(wv, chi), jnp.float32)
                    plsc.addupdate_scatter(acc.at[p], [d16], vlo * w16)
                    plsc.addupdate_scatter(acc.at[FPT // 2 + p], [d16],
                                           vhi * w16)

        pltpu.sync_copy(yt_hbm.at[pl.ds(g0, FPT // 2)], slab)

        for f in range(FPT):
            @plsc.parallel_loop(0, NP, step=LANES)
            def _(i):
                acc[f, pl.ds(i, LANES)] = zero

        start_set(0, 0)

        @pl.loop(0, NCH, step=2)
        def _(ci):
            start_set(1, ci + 1)
            wait_set(0)
            compute_set(0)
            start_set(0, jnp.minimum(ci + 2, NCH - 2))
            wait_set(1)
            compute_set(1)

        wait_set(0)
        pltpu.sync_copy(acc.at[pl.ds(0, FPT // 2)],
                        out_hbm.at[pl.ds(g0, FPT // 2)])
        pltpu.sync_copy(acc.at[pl.ds(FPT // 2, FPT // 2)],
                        out_hbm.at[pl.ds(F // 2 + g0, FPT // 2)])

    return agg_kernel(yt, sd, ew)


_BR = 1024
_NB = (N + _BR - 1) // _BR


def _deg_to_d(dp_block):
    deg = 1.0 + jnp.sum(dp_block, axis=(0, 2))
    return lax.rsqrt(deg)


def _pack_t(y):
    bits = jax.lax.bitcast_convert_type(y.astype(jnp.bfloat16),
                                        jnp.uint16).astype(jnp.uint32)
    w = bits[:, : F // 2] | (bits[:, F // 2:] << 16)
    return jax.lax.bitcast_convert_type(w, jnp.int32).T


def _pre_body(x_ref, w_ref, dp_ref, y_ref, yt_ref):
    d = _deg_to_d(dp_ref[...])
    xw = jnp.dot(x_ref[...], w_ref[...], preferred_element_type=jnp.float32)
    y = xw * d[:, None]
    y_ref[...] = y
    yt_ref[...] = _pack_t(y)


def _mid_body(acc_ref, y_ref, dp_ref, b_ref, w_ref, y2_ref, y2t_ref):
    d = _deg_to_d(dp_ref[...])
    h = (acc_ref[...].T + y_ref[...]) * d[:, None] + b_ref[...][None, :]
    h = jnp.maximum(h, 0.0)
    y2 = jnp.dot(h, w_ref[...], preferred_element_type=jnp.float32) * d[:, None]
    y2_ref[...] = y2
    y2t_ref[...] = _pack_t(y2)


def _post_body(acc_ref, y_ref, dp_ref, b_ref, out_ref):
    d = _deg_to_d(dp_ref[...])
    h = (acc_ref[...].T + y_ref[...]) * d[:, None] + b_ref[...][None, :]
    out_ref[...] = jnp.maximum(h, 0.0)


_spec_rows = pl.BlockSpec((_BR, F), lambda i: (i, 0))
_spec_rows_t = pl.BlockSpec((F, _BR), lambda i: (0, i))
_spec_packed = pl.BlockSpec((F // 2, _BR), lambda i: (0, i))
_spec_dp = pl.BlockSpec((NC, _BR, LANES), lambda i: (0, i, 0))
_spec_w = pl.BlockSpec((F, F), lambda i: (0, 0))
_spec_b = pl.BlockSpec((F,), lambda i: (0,))


@jax.jit
def _tc_pre(x, W, deg_par):
    return pl.pallas_call(
        _pre_body,
        grid=(_NB,),
        in_specs=[_spec_rows, _spec_w, _spec_dp],
        out_specs=[_spec_rows, _spec_packed],
        out_shape=[jax.ShapeDtypeStruct((N, F), jnp.float32),
                   jax.ShapeDtypeStruct((F // 2, NP), jnp.int32)],
    )(x, W, deg_par)


@jax.jit
def _tc_mid(acct, y, deg_par, b, W):
    return pl.pallas_call(
        _mid_body,
        grid=(_NB,),
        in_specs=[_spec_rows_t, _spec_rows, _spec_dp, _spec_b, _spec_w],
        out_specs=[_spec_rows, _spec_packed],
        out_shape=[jax.ShapeDtypeStruct((N, F), jnp.float32),
                   jax.ShapeDtypeStruct((F // 2, NP), jnp.int32)],
    )(acct, y, deg_par, b, W)


@jax.jit
def _tc_post(acct, y, deg_par, b):
    return pl.pallas_call(
        _post_body,
        grid=(_NB,),
        in_specs=[_spec_rows_t, _spec_rows, _spec_dp, _spec_b],
        out_specs=_spec_rows,
        out_shape=jax.ShapeDtypeStruct((N, F), jnp.float32),
    )(acct, y, deg_par, b)


def kernel(x, edge_index, edge_weight, W1, b1, W2, b2):
    src = edge_index[0].astype(jnp.int32)
    dst = edge_index[1].astype(jnp.int32)
    sd = src | (dst << 16)
    ew = edge_weight.astype(jnp.float32)

    deg_par = _sc_deg(sd, ew)
    y1, y1t = _tc_pre(x, W1, deg_par)
    acc1t = _sc_edge_agg(y1t, sd, ew)
    y2, y2t = _tc_mid(acc1t, y1, deg_par, b1, W2)
    acc2t = _sc_edge_agg(y2t, sd, ew)
    return _tc_post(acc2t, y2, deg_par, b2)

# --- scband reference (transcript-rebuilt; emitter-appended) ---
"""Pipeline reference for scband-gc2-n-37160057045292 (READ-ONLY COPY).

The authoritative reference and input builder live on the scoring server;
editing this copy changes nothing except your own understanding.
"""

import jax, jax.numpy as jnp
import numpy as np

N_NODES = 10000
N_EDGES = 320000
IN_DIM = 128
HID_DIM = 128
OUT_DIM = 128


def setup_inputs(seed: int = 0) -> dict:
    key = jax.random.key(seed)
    k1, k2, k3, k4, k5, k6, k7 = jax.random.split(key, 7)
    x = jax.random.normal(k1, (N_NODES, IN_DIM), dtype=jnp.float32)
    edge_index = jax.random.randint(k2, (2, N_EDGES), 0, N_NODES, dtype=jnp.int64)
    edge_weight = jax.random.uniform(k3, (N_EDGES,), dtype=jnp.float32)
    s1 = 1.0 / np.sqrt(IN_DIM)
    s2 = 1.0 / np.sqrt(HID_DIM)
    W1 = jax.random.uniform(k4, (IN_DIM, HID_DIM), dtype=jnp.float32, minval=-s1, maxval=s1)
    b1 = jnp.zeros((HID_DIM,), dtype=jnp.float32)
    W2 = jax.random.uniform(k5, (HID_DIM, OUT_DIM), dtype=jnp.float32, minval=-s2, maxval=s2)
    b2 = jnp.zeros((OUT_DIM,), dtype=jnp.float32)
    return {"x": x, "edge_index": edge_index, "edge_weight": edge_weight,
            "W1": W1, "b1": b1, "W2": W2, "b2": b2}


def _gcn_conv(x, edge_index, edge_weight, W, b):
    # Faithful PyG GCNConv: add self-loops (fill=1), symmetric normalization,
    # linear transform, gather-src, weight, scatter-add to dst, add bias.
    num_nodes = x.shape[0]
    src = edge_index[0]
    dst = edge_index[1]
    loop = jnp.arange(num_nodes, dtype=edge_index.dtype)
    src_f = jnp.concatenate([src, loop])
    dst_f = jnp.concatenate([dst, loop])
    ew_f = jnp.concatenate([edge_weight, jnp.ones((num_nodes,), dtype=x.dtype)])
    deg = jnp.zeros((num_nodes,), dtype=x.dtype).at[dst_f].add(ew_f)
    deg_inv_sqrt = jnp.where(deg > 0, deg ** -0.5, 0.0)
    norm = deg_inv_sqrt[src_f] * ew_f * deg_inv_sqrt[dst_f]
    xw = x @ W
    msg = jnp.take(xw, src_f, axis=0) * norm[:, None]
    out = jnp.zeros((num_nodes, xw.shape[1]), dtype=x.dtype).at[dst_f].add(msg)
    return out + b


def reference(x, edge_index, edge_weight, W1, b1, W2, b2):
    h = jax.nn.relu(_gcn_conv(x, edge_index, edge_weight, W1, b1))
    # dropout is identity in eval mode
    out = jax.nn.relu(_gcn_conv(h, edge_index, edge_weight, W2, b2))
    return out

if __name__ == "__main__":
    import jax
    _d = setup_inputs()
    print(jax.jit(kernel)(*tuple(_d.values())))

</pallas_src>

<mosaic_0001>
#map = affine_map<(d0, d1) -> (0)>
#map1 = affine_map<(d0, d1) -> (0, 0, 0)>
module attributes {stable_mosaic.version = 14 : i64} {
  func.func @deg_kernel(%arg0: i32, %arg1: i32, %arg2: memref<320000xi32, #tpu.memory_space<hbm>>, %arg3: memref<320000xf32, #tpu.memory_space<hbm>>, %arg4: memref<2x10000x16xf32, #tpu.memory_space<hbm>>, %arg5: memref<10000xi32, #tpu.memory_space<vmem>>, %arg6: memref<10000xf32, #tpu.memory_space<vmem>>, %arg7: memref<10000xf32, #tpu.memory_space<vmem>>, %arg8: memref<16x640xf32, #tpu.memory_space<vmem>>, %arg9: memref<640x16xf32, #tpu.memory_space<vmem>>, %arg10: memref<16x10000xf32, #tpu.memory_space<vmem_shared>>) attributes {dimension_semantics = [#tpu.dimension_semantics<core_parallel>, #tpu.dimension_semantics<subcore_parallel>], iteration_bounds = array<i64: 2, 16>, scalar_prefetch = 0 : i64, scratch_operands = 6 : i64, tpu.core_type = #tpu.core_type<sc_vector_subcore>, window_params = [{transform_indices = #map}, {transform_indices = #map}, {transform_indices = #map1}]} {
    %mul3A = arith.constant 16 : i32
    %mul3A_0 = arith.muli %arg0, %mul3A : i32
    %add3A = arith.addi %mul3A_0, %arg1 : i32
    %broadcast_in_dim3A = arith.constant 0.000000e+00 : f32
    %broadcast_in_dim3A_1 = vector.broadcast %broadcast_in_dim3A : f32 to vector<16xf32>
    %iota3A = tpu.iota {dimensions = array<i32: 0>} : vector<16xi32>
    %broadcast_in_dim3A_2 = arith.constant 16 : i32
    %broadcast_in_dim3A_3 = vector.broadcast %broadcast_in_dim3A_2 : i32 to vector<16xi32>
    %scan3A = arith.constant 0 : i32
    %scan3A_4 = arith.constant 625 : i32
    %scan3A_5 = arith.addi %scan3A, %scan3A_4 : i32
    %scan3A_6 = arith.constant 1 : i32
    scf.for %scan3A_38 = %scan3A to %scan3A_5 step %scan3A_6  : i32 {
      %mul3A_39 = arith.constant 16 : i32
      %mul3A_40 = arith.muli %scan3A_38, %mul3A_39 : i32
      %add3A_41 = arith.constant 0 : i32
      %add3A_42 = arith.addi %add3A_41, %mul3A_40 : i32
      %swap3A = arith.index_cast %add3A_42 : i32 to index
      %swap3A_43 = tpu.vector_load %arg7[%swap3A] {strides = array<i32>} : memref<10000xf32, #tpu.memory_space<vmem>>, vector<16xf32>,
      tpu.vector_store %arg7[%swap3A], %broadcast_in_dim3A_1 {strides = array<i32>} : memref<10000xf32, #tpu.memory_space<vmem>>, vector<16xf32>,
    }
    %scan3A_7 = arith.constant 625 : i32
    %scan3A_8 = arith.constant 0 : i32
    %scan3A_9 = arith.constant 640 : i32
    %scan3A_10 = arith.addi %scan3A_8, %scan3A_9 : i32
    %scan3A_11 = arith.constant 1 : i32
    scf.for %scan3A_38 = %scan3A_8 to %scan3A_10 step %scan3A_11  : i32 {
      %mul3A_39 = arith.constant 1 : i32
      %mul3A_40 = arith.muli %scan3A_38, %mul3A_39 : i32
      %add3A_41 = arith.constant 0 : i32
      %add3A_42 = arith.addi %add3A_41, %mul3A_40 : i32
      %swap3A = arith.index_cast %add3A_42 : i32 to index
      %swap3A_43 = arith.constant 0 : index
      %swap3A_44 = tpu.vector_load %arg9[%swap3A, %swap3A_43] {strides = array<i32>} : memref<640x16xf32, #tpu.memory_space<vmem>>, vector<16xf32>,
      tpu.vector_store %arg9[%swap3A, %swap3A_43], %broadcast_in_dim3A_1 {strides = array<i32>} : memref<640x16xf32, #tpu.memory_space<vmem>>, vector<16xf32>,
    }
    %scan3A_12 = arith.constant 640 : i32
    %mul3A_13 = arith.constant 10000 : i32
    %mul3A_14 = arith.muli %add3A, %mul3A_13 : i32
    "tpu.region"() ({
      %run_scoped3A = tpu.sem_alloc : memref<!tpu.dma_semaphore, #tpu.memory_space<semaphore_mem>>
      %dma_start3A = tpu.memref_slice %arg2[%mul3A_14] : memref<320000xi32, #tpu.memory_space<hbm>> -> memref<10000xi32, #tpu.memory_space<hbm>>
      %dma_start3A_38 = tpu.memref_slice %arg2[%mul3A_14] : memref<320000xi32, #tpu.memory_space<hbm>> -> memref<10000xi32, #tpu.memory_space<hbm>>
      tpu.enqueue_dma source(%dma_start3A_38 : memref<10000xi32, #tpu.memory_space<hbm>>) target(%arg5 : memref<10000xi32, #tpu.memory_space<vmem>>) target_semaphore(%run_scoped3A : memref<!tpu.dma_semaphore, #tpu.memory_space<semaphore_mem>>)
      %dma_wait3A = tpu.memref_slice %arg2[%mul3A_14] : memref<320000xi32, #tpu.memory_space<hbm>> -> memref<10000xi32, #tpu.memory_space<hbm>>
      %dma_wait3A_39 = tpu.memref_slice %arg2[%mul3A_14] : memref<320000xi32, #tpu.memory_space<hbm>> -> memref<10000xi32, #tpu.memory_space<hbm>>
      tpu.wait_dma2 semaphore(%run_scoped3A : memref<!tpu.dma_semaphore, #tpu.memory_space<semaphore_mem>>) src(%dma_wait3A_39 : memref<10000xi32, #tpu.memory_space<hbm>>) dst(%arg5 : memref<10000xi32, #tpu.memory_space<vmem>>)
      tpu.yield
    }) : () -> ()
    %mul3A_15 = arith.constant 10000 : i32
    %mul3A_16 = arith.muli %add3A, %mul3A_15 : i32
    "tpu.region"() ({
      %run_scoped3A = tpu.sem_alloc : memref<!tpu.dma_semaphore, #tpu.memory_space<semaphore_mem>>
      %dma_start3A = tpu.memref_slice %arg3[%mul3A_16] : memref<320000xf32, #tpu.memory_space<hbm>> -> memref<10000xf32, #tpu.memory_space<hbm>>
      %dma_start3A_38 = tpu.memref_slice %arg3[%mul3A_16] : memref<320000xf32, #tpu.memory_space<hbm>> -> memref<10000xf32, #tpu.memory_space<hbm>>
      tpu.enqueue_dma source(%dma_start3A_38 : memref<10000xf32, #tpu.memory_space<hbm>>) target(%arg6 : memref<10000xf32, #tpu.memory_space<vmem>>) target_semaphore(%run_scoped3A : memref<!tpu.dma_semaphore, #tpu.memory_space<semaphore_mem>>)
      %dma_wait3A = tpu.memref_slice %arg3[%mul3A_16] : memref<320000xf32, #tpu.memory_space<hbm>> -> memref<10000xf32, #tpu.memory_space<hbm>>
      %dma_wait3A_39 = tpu.memref_slice %arg3[%mul3A_16] : memref<320000xf32, #tpu.memory_space<hbm>> -> memref<10000xf32, #tpu.memory_space<hbm>>
      tpu.wait_dma2 semaphore(%run_scoped3A : memref<!tpu.dma_semaphore, #tpu.memory_space<semaphore_mem>>) src(%dma_wait3A_39 : memref<10000xf32, #tpu.memory_space<hbm>>) dst(%arg6 : memref<10000xf32, #tpu.memory_space<vmem>>)
      tpu.yield
    }) : () -> ()
    %parallel_loop3A = arith.constant 0 : i32
    %parallel_loop3A_17 = arith.constant 10000 : i32
    %parallel_loop3A_18 = arith.constant 16 : i32
    scf.for %parallel_loop3A_38 = %parallel_loop3A to %parallel_loop3A_17 step %parallel_loop3A_18  : i32 {
      %parallel_loop3A_39 = arith.index_cast %parallel_loop3A_38 : i32 to index
      %parallel_loop3A_40 = tpu.vector_load %arg5[%parallel_loop3A_39] {strides = array<i32>} : memref<10000xi32, #tpu.memory_space<vmem>>, vector<16xi32>,
      %parallel_loop3A_41 = arith.shrui %parallel_loop3A_40, %broadcast_in_dim3A_3 : vector<16xi32>
      %parallel_loop3A_42 = arith.index_cast %parallel_loop3A_38 : i32 to index
      %parallel_loop3A_43 = tpu.vector_load %arg6[%parallel_loop3A_42] {strides = array<i32>} : memref<10000xf32, #tpu.memory_space<vmem>>, vector<16xf32>,
      tpu.vector_store_idx %arg7[%parallel_loop3A_41], %parallel_loop3A_43 {add = true} : memref<10000xf32, #tpu.memory_space<vmem>>[vector<16xi32>], vector<16xf32>,
    } {sc.loop_unroll_factor = 4 : i64, sc.parallel_access}
    "tpu.region"() ({
      %run_scoped3A = tpu.sem_alloc : memref<!tpu.dma_semaphore, #tpu.memory_space<semaphore_mem>>
      %dma_start3A = arith.constant 0 : i32
      %dma_start3A_38 = tpu.memref_slice %arg10[%arg1, %dma_start3A] : memref<16x10000xf32, #tpu.memory_space<vmem_shared>> -> memref<1x10000xf32, #tpu.memory_space<vmem_shared>>
      %dma_start3A_39 = tpu.memref_squeeze %dma_start3A_38 : memref<1x10000xf32, #tpu.memory_space<vmem_shared>> -> memref<10000xf32, #tpu.memory_space<vmem_shared>>
      %dma_start3A_40 = arith.constant 0 : i32
      %dma_start3A_41 = tpu.memref_slice %arg10[%arg1, %dma_start3A_40] : memref<16x10000xf32, #tpu.memory_space<vmem_shared>> -> memref<1x10000xf32, #tpu.memory_space<vmem_shared>>
      %dma_start3A_42 = tpu.memref_squeeze %dma_start3A_41 : memref<1x10000xf32, #tpu.memory_space<vmem_shared>> -> memref<10000xf32, #tpu.memory_space<vmem_shared>>
      tpu.enqueue_dma source(%arg7 : memref<10000xf32, #tpu.memory_space<vmem>>) target(%dma_start3A_42 : memref<10000xf32, #tpu.memory_space<vmem_shared>>) target_semaphore(%run_scoped3A : memref<!tpu.dma_semaphore, #tpu.memory_space<semaphore_mem>>)
      %dma_wait3A = arith.constant 0 : i32
      %dma_wait3A_43 = tpu.memref_slice %arg10[%arg1, %dma_wait3A] : memref<16x10000xf32, #tpu.memory_space<vmem_shared>> -> memref<1x10000xf32, #tpu.memory_space<vmem_shared>>
      %dma_wait3A_44 = tpu.memref_squeeze %dma_wait3A_43 : memref<1x10000xf32, #tpu.memory_space<vmem_shared>> -> memref<10000xf32, #tpu.memory_space<vmem_shared>>
      %dma_wait3A_45 = arith.constant 0 : i32
      %dma_wait3A_46 = tpu.memref_slice %arg10[%arg1, %dma_wait3A_45] : memref<16x10000xf32, #tpu.memory_space<vmem_shared>> -> memref<1x10000xf32, #tpu.memory_space<vmem_shared>>
      %dma_wait3A_47 = tpu.memref_squeeze %dma_wait3A_46 : memref<1x10000xf32, #tpu.memory_space<vmem_shared>> -> memref<10000xf32, #tpu.memory_space<vmem_shared>>
      tpu.wait_dma2 semaphore(%run_scoped3A : memref<!tpu.dma_semaphore, #tpu.memory_space<semaphore_mem>>) src(%arg7 : memref<10000xf32, #tpu.memory_space<vmem>>) dst(%dma_wait3A_47 : memref<10000xf32, #tpu.memory_space<vmem_shared>>)
      tpu.yield
    }) : () -> ()
    %barrier3A = arith.constant 0 : index
    tpu.barrier barrier_id(%barrier3A)
    %mul3A_19 = arith.constant 624 : i32
    %mul3A_20 = arith.muli %arg1, %mul3A_19 : i32
    "tpu.region"() ({
      %run_scoped3A = tpu.sem_alloc : memref<!tpu.dma_semaphore, #tpu.memory_space<semaphore_mem>>
      %dma_start3A = arith.constant 0 : i32
      %dma_start3A_38 = arith.constant 0 : i32
      %dma_start3A_39 = tpu.memref_slice %arg8[%dma_start3A, %dma_start3A_38] : memref<16x640xf32, #tpu.memory_space<vmem>> -> memref<16x624xf32, #tpu.memory_space<vmem>>
      %dma_start3A_40 = arith.constant 0 : i32
      %dma_start3A_41 = tpu.memref_slice %arg10[%dma_start3A_40, %mul3A_20] : memref<16x10000xf32, #tpu.memory_space<vmem_shared>> -> memref<16x624xf32, #tpu.memory_space<vmem_shared>>
      %dma_start3A_42 = arith.constant 0 : i32
      %dma_start3A_43 = arith.constant 0 : i32
      %dma_start3A_44 = tpu.memref_slice %arg8[%dma_start3A_42, %dma_start3A_43] : memref<16x640xf32, #tpu.memory_space<vmem>> -> memref<16x624xf32, #tpu.memory_space<vmem>>
      %dma_start3A_45 = arith.constant 0 : i32
      %dma_start3A_46 = tpu.memref_slice %arg10[%dma_start3A_45, %mul3A_20] : memref<16x10000xf32, #tpu.memory_space<vmem_shared>> -> memref<16x624xf32, #tpu.memory_space<vmem_shared>>
      tpu.enqueue_dma source(%dma_start3A_46 : memref<16x624xf32, #tpu.memory_space<vmem_shared>>) target(%dma_start3A_44 : memref<16x624xf32, #tpu.memory_space<vmem>>) target_semaphore(%run_scoped3A : memref<!tpu.dma_semaphore, #tpu.memory_space<semaphore_mem>>)
      %dma_wait3A = arith.constant 0 : i32
      %dma_wait3A_47 = arith.constant 0 : i32
      %dma_wait3A_48 = tpu.memref_slice %arg8[%dma_wait3A, %dma_wait3A_47] : memref<16x640xf32, #tpu.memory_space<vmem>> -> memref<16x624xf32, #tpu.memory_space<vmem>>
      %dma_wait3A_49 = arith.constant 0 : i32
      %dma_wait3A_50 = tpu.memref_slice %arg10[%dma_wait3A_49, %mul3A_20] : memref<16x10000xf32, #tpu.memory_space<vmem_shared>> -> memref<16x624xf32, #tpu.memory_space<vmem_shared>>
      %dma_wait3A_51 = arith.constant 0 : i32
      %dma_wait3A_52 = arith.constant 0 : i32
      %dma_wait3A_53 = tpu.memref_slice %arg8[%dma_wait3A_51, %dma_wait3A_52] : memref<16x640xf32, #tpu.memory_space<vmem>> -> memref<16x624xf32, #tpu.memory_space<vmem>>
      %dma_wait3A_54 = arith.constant 0 : i32
      %dma_wait3A_55 = tpu.memref_slice %arg10[%dma_wait3A_54, %mul3A_20] : memref<16x10000xf32, #tpu.memory_space<vmem_shared>> -> memref<16x624xf32, #tpu.memory_space<vmem_shared>>
      tpu.wait_dma2 semaphore(%run_scoped3A : memref<!tpu.dma_semaphore, #tpu.memory_space<semaphore_mem>>) src(%dma_wait3A_55 : memref<16x624xf32, #tpu.memory_space<vmem_shared>>) dst(%dma_wait3A_53 : memref<16x624xf32, #tpu.memory_space<vmem>>)
      tpu.yield
    }) : () -> ()
    %eq3A = arith.constant 15 : i32
    %eq3A_21 = arith.cmpi eq, %arg1, %eq3A : i32
    %convert_element_type3A = arith.extui %eq3A_21 : i1 to i32
    %cond3A = arith.constant 0 : i32
    %cond3A_22 = arith.cmpi ne, %convert_element_type3A, %cond3A : i32
    scf.if %cond3A_22 {
      "tpu.region"() ({
        %run_scoped3A = tpu.sem_alloc : memref<!tpu.dma_semaphore, #tpu.memory_space<semaphore_mem>>
        %dma_start3A = arith.constant 0 : i32
        %dma_start3A_38 = arith.constant 624 : i32
        %dma_start3A_39 = tpu.memref_slice %arg8[%dma_start3A, %dma_start3A_38] : memref<16x640xf32, #tpu.memory_space<vmem>> -> memref<16x16xf32, #tpu.memory_space<vmem>>
        %dma_start3A_40 = arith.constant 0 : i32
        %dma_start3A_41 = arith.constant 9984 : i32
        %dma_start3A_42 = tpu.memref_slice %arg10[%dma_start3A_40, %dma_start3A_41] : memref<16x10000xf32, #tpu.memory_space<vmem_shared>> -> memref<16x16xf32, #tpu.memory_space<vmem_shared>>
        %dma_start3A_43 = arith.constant 0 : i32
        %dma_start3A_44 = arith.constant 624 : i32
        %dma_start3A_45 = tpu.memref_slice %arg8[%dma_start3A_43, %dma_start3A_44] : memref<16x640xf32, #tpu.memory_space<vmem>> -> memref<16x16xf32, #tpu.memory_space<vmem>>
        %dma_start3A_46 = arith.constant 0 : i32
        %dma_start3A_47 = arith.constant 9984 : i32
        %dma_start3A_48 = tpu.memref_slice %arg10[%dma_start3A_46, %dma_start3A_47] : memref<16x10000xf32, #tpu.memory_space<vmem_shared>> -> memref<16x16xf32, #tpu.memory_space<vmem_shared>>
        tpu.enqueue_dma source(%dma_start3A_48 : memref<16x16xf32, #tpu.memory_space<vmem_shared>>) target(%dma_start3A_45 : memref<16x16xf32, #tpu.memory_space<vmem>>) target_semaphore(%run_scoped3A : memref<!tpu.dma_semaphore, #tpu.memory_space<semaphore_mem>>)
        %dma_wait3A = arith.constant 0 : i32
        %dma_wait3A_49 = arith.constant 624 : i32
        %dma_wait3A_50 = tpu.memref_slice %arg8[%dma_wait3A, %dma_wait3A_49] : memref<16x640xf32, #tpu.memory_space<vmem>> -> memref<16x16xf32, #tpu.memory_space<vmem>>
        %dma_wait3A_51 = arith.constant 0 : i32
        %dma_wait3A_52 = arith.constant 9984 : i32
        %dma_wait3A_53 = tpu.memref_slice %arg10[%dma_wait3A_51, %dma_wait3A_52] : memref<16x10000xf32, #tpu.memory_space<vmem_shared>> -> memref<16x16xf32, #tpu.memory_space<vmem_shared>>
        %dma_wait3A_54 = arith.constant 0 : i32
        %dma_wait3A_55 = arith.constant 624 : i32
        %dma_wait3A_56 = tpu.memref_slice %arg8[%dma_wait3A_54, %dma_wait3A_55] : memref<16x640xf32, #tpu.memory_space<vmem>> -> memref<16x16xf32, #tpu.memory_space<vmem>>
        %dma_wait3A_57 = arith.constant 0 : i32
        %dma_wait3A_58 = arith.constant 9984 : i32
        %dma_wait3A_59 = tpu.memref_slice %arg10[%dma_wait3A_57, %dma_wait3A_58] : memref<16x10000xf32, #tpu.memory_space<vmem_shared>> -> memref<16x16xf32, #tpu.memory_space<vmem_shared>>
        tpu.wait_dma2 semaphore(%run_scoped3A : memref<!tpu.dma_semaphore, #tpu.memory_space<semaphore_mem>>) src(%dma_wait3A_59 : memref<16x16xf32, #tpu.memory_space<vmem_shared>>) dst(%dma_wait3A_56 : memref<16x16xf32, #tpu.memory_space<vmem>>)
        tpu.yield
      }) : () -> ()
    } else {
    }
    %scan3A_23 = arith.constant 0 : i32
    %scan3A_24 = arith.constant 39 : i32
    %scan3A_25 = arith.addi %scan3A_23, %scan3A_24 : i32
    %scan3A_26 = arith.constant 1 : i32
    scf.for %scan3A_38 = %scan3A_23 to %scan3A_25 step %scan3A_26  : i32 {
      %mul3A_39 = arith.constant 16 : i32
      %mul3A_40 = arith.muli %scan3A_38, %mul3A_39 : i32
      %add3A_41 = arith.constant 0 : i32
      %add3A_42 = arith.addi %add3A_41, %mul3A_40 : i32
      %get3A = arith.constant 0 : i32
      %get3A_43 = arith.index_cast %get3A : i32 to index
      %get3A_44 = arith.index_cast %add3A_42 : i32 to index
      %get3A_45 = tpu.vector_load %arg8[%get3A_43, %get3A_44] {strides = array<i32>} : memref<16x640xf32, #tpu.memory_space<vmem>>, vector<16xf32>,
      %get3A_46 = arith.constant 1 : i32
      %get3A_47 = arith.index_cast %get3A_46 : i32 to index
      %get3A_48 = arith.index_cast %add3A_42 : i32 to index
      %get3A_49 = tpu.vector_load %arg8[%get3A_47, %get3A_48] {strides = array<i32>} : memref<16x640xf32, #tpu.memory_space<vmem>>, vector<16xf32>,
      %add3A_50 = arith.addf %get3A_45, %get3A_49 : vector<16xf32>
      %get3A_51 = arith.constant 2 : i32
      %get3A_52 = arith.index_cast %get3A_51 : i32 to index
      %get3A_53 = arith.index_cast %add3A_42 : i32 to index
      %get3A_54 = tpu.vector_load %arg8[%get3A_52, %get3A_53] {strides = array<i32>} : memref<16x640xf32, #tpu.memory_space<vmem>>, vector<16xf32>,
      %add3A_55 = arith.addf %add3A_50, %get3A_54 : vector<16xf32>
      %get3A_56 = arith.constant 3 : i32
      %get3A_57 = arith.index_cast %get3A_56 : i32 to index
      %get3A_58 = arith.index_cast %add3A_42 : i32 to index
      %get3A_59 = tpu.vector_load %arg8[%get3A_57, %get3A_58] {strides = array<i32>} : memref<16x640xf32, #tpu.memory_space<vmem>>, vector<16xf32>,
      %add3A_60 = arith.addf %add3A_55, %get3A_59 : vector<16xf32>
      %get3A_61 = arith.constant 4 : i32
      %get3A_62 = arith.index_cast %get3A_61 : i32 to index
      %get3A_63 = arith.index_cast %add3A_42 : i32 to index
      %get3A_64 = tpu.vector_load %arg8[%get3A_62, %get3A_63] {strides = array<i32>} : memref<16x640xf32, #tpu.memory_space<vmem>>, vector<16xf32>,
      %add3A_65 = arith.addf %add3A_60, %get3A_64 : vector<16xf32>
      %get3A_66 = arith.constant 5 : i32
      %get3A_67 = arith.index_cast %get3A_66 : i32 to index
      %get3A_68 = arith.index_cast %add3A_42 : i32 to index
      %get3A_69 = tpu.vector_load %arg8[%get3A_67, %get3A_68] {strides = array<i32>} : memref<16x640xf32, #tpu.memory_space<vmem>>, vector<16xf32>,
      %add3A_70 = arith.addf %add3A_65, %get3A_69 : vector<16xf32>
      %get3A_71 = arith.constant 6 : i32
      %get3A_72 = arith.index_cast %get3A_71 : i32 to index
      %get3A_73 = arith.index_cast %add3A_42 : i32 to index
      %get3A_74 = tpu.vector_load %arg8[%get3A_72, %get3A_73] {strides = array<i32>} : memref<16x640xf32, #tpu.memory_space<vmem>>, vector<16xf32>,
      %add3A_75 = arith.addf %add3A_70, %get3A_74 : vector<16xf32>
      %get3A_76 = arith.constant 7 : i32
      %get3A_77 = arith.index_cast %get3A_76 : i32 to index
      %get3A_78 = arith.index_cast %add3A_42 : i32 to index
      %get3A_79 = tpu.vector_load %arg8[%get3A_77, %get3A_78] {strides = array<i32>} : memref<16x640xf32, #tpu.memory_space<vmem>>, vector<16xf32>,
      %add3A_80 = arith.addf %add3A_75, %get3A_79 : vector<16xf32>
      %get3A_81 = arith.constant 8 : i32
      %get3A_82 = arith.index_cast %get3A_81 : i32 to index
      %get3A_83 = arith.index_cast %add3A_42 : i32 to index
      %get3A_84 = tpu.vector_load %arg8[%get3A_82, %get3A_83] {strides = array<i32>} : memref<16x640xf32, #tpu.memory_space<vmem>>, vector<16xf32>,
      %add3A_85 = arith.addf %add3A_80, %get3A_84 : vector<16xf32>
      %get3A_86 = arith.constant 9 : i32
      %get3A_87 = arith.index_cast %get3A_86 : i32 to index
      %get3A_88 = arith.index_cast %add3A_42 : i32 to index
      %get3A_89 = tpu.vector_load %arg8[%get3A_87, %get3A_88] {strides = array<i32>} : memref<16x640xf32, #tpu.memory_space<vmem>>, vector<16xf32>,
      %add3A_90 = arith.addf %add3A_85, %get3A_89 : vector<16xf32>
      %get3A_91 = arith.constant 10 : i32
      %get3A_92 = arith.index_cast %get3A_91 : i32 to index
      %get3A_93 = arith.index_cast %add3A_42 : i32 to index
      %get3A_94 = tpu.vector_load %arg8[%get3A_92, %get3A_93] {strides = array<i32>} : memref<16x640xf32, #tpu.memory_space<vmem>>, vector<16xf32>,
      %add3A_95 = arith.addf %add3A_90, %get3A_94 : vector<16xf32>
      %get3A_96 = arith.constant 11 : i32
      %get3A_97 = arith.index_cast %get3A_96 : i32 to index
      %get3A_98 = arith.index_cast %add3A_42 : i32 to index
      %get3A_99 = tpu.vector_load %arg8[%get3A_97, %get3A_98] {strides = array<i32>} : memref<16x640xf32, #tpu.memory_space<vmem>>, vector<16xf32>,
      %add3A_100 = arith.addf %add3A_95, %get3A_99 : vector<16xf32>
      %get3A_101 = arith.constant 12 : i32
      %get3A_102 = arith.index_cast %get3A_101 : i32 to index
      %get3A_103 = arith.index_cast %add3A_42 : i32 to index
      %get3A_104 = tpu.vector_load %arg8[%get3A_102, %get3A_103] {strides = array<i32>} : memref<16x640xf32, #tpu.memory_space<vmem>>, vector<16xf32>,
      %add3A_105 = arith.addf %add3A_100, %get3A_104 : vector<16xf32>
      %get3A_106 = arith.constant 13 : i32
      %get3A_107 = arith.index_cast %get3A_106 : i32 to index
      %get3A_108 = arith.index_cast %add3A_42 : i32 to index
      %get3A_109 = tpu.vector_load %arg8[%get3A_107, %get3A_108] {strides = array<i32>} : memref<16x640xf32, #tpu.memory_space<vmem>>, vector<16xf32>,
      %add3A_110 = arith.addf %add3A_105, %get3A_109 : vector<16xf32>
      %get3A_111 = arith.constant 14 : i32
      %get3A_112 = arith.index_cast %get3A_111 : i32 to index
      %get3A_113 = arith.index_cast %add3A_42 : i32 to index
      %get3A_114 = tpu.vector_load %arg8[%get3A_112, %get3A_113] {strides = array<i32>} : memref<16x640xf32, #tpu.memory_space<vmem>>, vector<16xf32>,
      %add3A_115 = arith.addf %add3A_110, %get3A_114 : vector<16xf32>
      %get3A_116 = arith.constant 15 : i32
      %get3A_117 = arith.index_cast %get3A_116 : i32 to index
      %get3A_118 = arith.index_cast %add3A_42 : i32 to index
      %get3A_119 = tpu.vector_load %arg8[%get3A_117, %get3A_118] {strides = array<i32>} : memref<16x640xf32, #tpu.memory_space<vmem>>, vector<16xf32>,
      %add3A_120 = arith.addf %add3A_115, %get3A_119 : vector<16xf32>
      %add3A_121 = vector.broadcast %add3A_42 : i32 to vector<16xi32>
      %add3A_122 = arith.addi %add3A_121, %iota3A : vector<16xi32>
      %broadcast_in_dim3A_123 = arith.constant 0 : i32
      %broadcast_in_dim3A_124 = vector.broadcast %broadcast_in_dim3A_123 : i32 to vector<16xi32>
      tpu.vector_store_idx %arg9[%add3A_122, %broadcast_in_dim3A_124], %add3A_120 : memref<640x16xf32, #tpu.memory_space<vmem>>[vector<16xi32>, vector<16xi32>], vector<16xf32>,
    }
    %scan3A_27 = arith.constant 39 : i32
    %eq3A_28 = arith.constant 15 : i32
    %eq3A_29 = arith.cmpi eq, %arg1, %eq3A_28 : i32
    %convert_element_type3A_30 = arith.extui %eq3A_29 : i1 to i32
    %cond3A_31 = arith.constant 0 : i32
    %cond3A_32 = arith.cmpi ne, %convert_element_type3A_30, %cond3A_31 : i32
    scf.if %cond3A_32 {
      %get3A = arith.constant 0 : i32
      %get3A_38 = arith.index_cast %get3A : i32 to index
      %get3A_39 = arith.constant 624 : index
      %get3A_40 = tpu.vector_load %arg8[%get3A_38, %get3A_39] {strides = array<i32>} : memref<16x640xf32, #tpu.memory_space<vmem>>, vector<16xf32>,
      %get3A_41 = arith.constant 1 : i32
      %get3A_42 = arith.index_cast %get3A_41 : i32 to index
      %get3A_43 = arith.constant 624 : index
      %get3A_44 = tpu.vector_load %arg8[%get3A_42, %get3A_43] {strides = array<i32>} : memref<16x640xf32, #tpu.memory_space<vmem>>, vector<16xf32>,
      %add3A_45 = arith.addf %get3A_40, %get3A_44 : vector<16xf32>
      %get3A_46 = arith.constant 2 : i32
      %get3A_47 = arith.index_cast %get3A_46 : i32 to index
      %get3A_48 = arith.constant 624 : index
      %get3A_49 = tpu.vector_load %arg8[%get3A_47, %get3A_48] {strides = array<i32>} : memref<16x640xf32, #tpu.memory_space<vmem>>, vector<16xf32>,
      %add3A_50 = arith.addf %add3A_45, %get3A_49 : vector<16xf32>
      %get3A_51 = arith.constant 3 : i32
      %get3A_52 = arith.index_cast %get3A_51 : i32 to index
      %get3A_53 = arith.constant 624 : index
      %get3A_54 = tpu.vector_load %arg8[%get3A_52, %get3A_53] {strides = array<i32>} : memref<16x640xf32, #tpu.memory_space<vmem>>, vector<16xf32>,
      %add3A_55 = arith.addf %add3A_50, %get3A_54 : vector<16xf32>
      %get3A_56 = arith.constant 4 : i32
      %get3A_57 = arith.index_cast %get3A_56 : i32 to index
      %get3A_58 = arith.constant 624 : index
      %get3A_59 = tpu.vector_load %arg8[%get3A_57, %get3A_58] {strides = array<i32>} : memref<16x640xf32, #tpu.memory_space<vmem>>, vector<16xf32>,
      %add3A_60 = arith.addf %add3A_55, %get3A_59 : vector<16xf32>
      %get3A_61 = arith.constant 5 : i32
      %get3A_62 = arith.index_cast %get3A_61 : i32 to index
      %get3A_63 = arith.constant 624 : index
      %get3A_64 = tpu.vector_load %arg8[%get3A_62, %get3A_63] {strides = array<i32>} : memref<16x640xf32, #tpu.memory_space<vmem>>, vector<16xf32>,
      %add3A_65 = arith.addf %add3A_60, %get3A_64 : vector<16xf32>
      %get3A_66 = arith.constant 6 : i32
      %get3A_67 = arith.index_cast %get3A_66 : i32 to index
      %get3A_68 = arith.constant 624 : index
      %get3A_69 = tpu.vector_load %arg8[%get3A_67, %get3A_68] {strides = array<i32>} : memref<16x640xf32, #tpu.memory_space<vmem>>, vector<16xf32>,
      %add3A_70 = arith.addf %add3A_65, %get3A_69 : vector<16xf32>
      %get3A_71 = arith.constant 7 : i32
      %get3A_72 = arith.index_cast %get3A_71 : i32 to index
      %get3A_73 = arith.constant 624 : index
      %get3A_74 = tpu.vector_load %arg8[%get3A_72, %get3A_73] {strides = array<i32>} : memref<16x640xf32, #tpu.memory_space<vmem>>, vector<16xf32>,
      %add3A_75 = arith.addf %add3A_70, %get3A_74 : vector<16xf32>
      %get3A_76 = arith.constant 8 : i32
      %get3A_77 = arith.index_cast %get3A_76 : i32 to index
      %get3A_78 = arith.constant 624 : index
      %get3A_79 = tpu.vector_load %arg8[%get3A_77, %get3A_78] {strides = array<i32>} : memref<16x640xf32, #tpu.memory_space<vmem>>, vector<16xf32>,
      %add3A_80 = arith.addf %add3A_75, %get3A_79 : vector<16xf32>
      %get3A_81 = arith.constant 9 : i32
      %get3A_82 = arith.index_cast %get3A_81 : i32 to index
      %get3A_83 = arith.constant 624 : index
      %get3A_84 = tpu.vector_load %arg8[%get3A_82, %get3A_83] {strides = array<i32>} : memref<16x640xf32, #tpu.memory_space<vmem>>, vector<16xf32>,
      %add3A_85 = arith.addf %add3A_80, %get3A_84 : vector<16xf32>
      %get3A_86 = arith.constant 10 : i32
      %get3A_87 = arith.index_cast %get3A_86 : i32 to index
      %get3A_88 = arith.constant 624 : index
      %get3A_89 = tpu.vector_load %arg8[%get3A_87, %get3A_88] {strides = array<i32>} : memref<16x640xf32, #tpu.memory_space<vmem>>, vector<16xf32>,
      %add3A_90 = arith.addf %add3A_85, %get3A_89 : vector<16xf32>
      %get3A_91 = arith.constant 11 : i32
      %get3A_92 = arith.index_cast %get3A_91 : i32 to index
      %get3A_93 = arith.constant 624 : index
      %get3A_94 = tpu.vector_load %arg8[%get3A_92, %get3A_93] {strides = array<i32>} : memref<16x640xf32, #tpu.memory_space<vmem>>, vector<16xf32>,
      %add3A_95 = arith.addf %add3A_90, %get3A_94 : vector<16xf32>
      %get3A_96 = arith.constant 12 : i32
      %get3A_97 = arith.index_cast %get3A_96 : i32 to index
      %get3A_98 = arith.constant 624 : index
      %get3A_99 = tpu.vector_load %arg8[%get3A_97, %get3A_98] {strides = array<i32>} : memref<16x640xf32, #tpu.memory_space<vmem>>, vector<16xf32>,
      %add3A_100 = arith.addf %add3A_95, %get3A_99 : vector<16xf32>
      %get3A_101 = arith.constant 13 : i32
      %get3A_102 = arith.index_cast %get3A_101 : i32 to index
      %get3A_103 = arith.constant 624 : index
      %get3A_104 = tpu.vector_load %arg8[%get3A_102, %get3A_103] {strides = array<i32>} : memref<16x640xf32, #tpu.memory_space<vmem>>, vector<16xf32>,
      %add3A_105 = arith.addf %add3A_100, %get3A_104 : vector<16xf32>
      %get3A_106 = arith.constant 14 : i32
      %get3A_107 = arith.index_cast %get3A_106 : i32 to index
      %get3A_108 = arith.constant 624 : index
      %get3A_109 = tpu.vector_load %arg8[%get3A_107, %get3A_108] {strides = array<i32>} : memref<16x640xf32, #tpu.memory_space<vmem>>, vector<16xf32>,
      %add3A_110 = arith.addf %add3A_105, %get3A_109 : vector<16xf32>
      %get3A_111 = arith.constant 15 : i32
      %get3A_112 = arith.index_cast %get3A_111 : i32 to index
      %get3A_113 = arith.constant 624 : index
      %get3A_114 = tpu.vector_load %arg8[%get3A_112, %get3A_113] {strides = array<i32>} : memref<16x640xf32, #tpu.memory_space<vmem>>, vector<16xf32>,
      %add3A_115 = arith.addf %add3A_110, %get3A_114 : vector<16xf32>
      %add3A_116 = arith.constant 624 : i32
      %add3A_117 = vector.broadcast %add3A_116 : i32 to vector<16xi32>
      %add3A_118 = arith.addi %add3A_117, %iota3A : vector<16xi32>
      %broadcast_in_dim3A_119 = arith.constant 0 : i32
      %broadcast_in_dim3A_120 = vector.broadcast %broadcast_in_dim3A_119 : i32 to vector<16xi32>
      tpu.vector_store_idx %arg9[%add3A_118, %broadcast_in_dim3A_120], %add3A_115 : memref<640x16xf32, #tpu.memory_space<vmem>>[vector<16xi32>, vector<16xi32>], vector<16xf32>,
    } else {
    }
    "tpu.region"() ({
      %run_scoped3A = tpu.sem_alloc : memref<!tpu.dma_semaphore, #tpu.memory_space<semaphore_mem>>
      %dma_start3A = arith.constant 0 : i32
      %dma_start3A_38 = arith.constant 0 : i32
      %dma_start3A_39 = tpu.memref_slice %arg9[%dma_start3A, %dma_start3A_38] : memref<640x16xf32, #tpu.memory_space<vmem>> -> memref<624x16xf32, #tpu.memory_space<vmem>>
      %dma_start3A_40 = arith.constant 0 : i32
      %dma_start3A_41 = tpu.memref_slice %arg4[%arg0, %mul3A_20, %dma_start3A_40] : memref<2x10000x16xf32, #tpu.memory_space<hbm>> -> memref<1x624x16xf32, #tpu.memory_space<hbm>>
      %dma_start3A_42 = tpu.memref_squeeze %dma_start3A_41 : memref<1x624x16xf32, #tpu.memory_space<hbm>> -> memref<624x16xf32, #tpu.memory_space<hbm>>
      %dma_start3A_43 = arith.constant 0 : i32
      %dma_start3A_44 = tpu.memref_slice %arg4[%arg0, %mul3A_20, %dma_start3A_43] : memref<2x10000x16xf32, #tpu.memory_space<hbm>> -> memref<1x624x16xf32, #tpu.memory_space<hbm>>
      %dma_start3A_45 = tpu.memref_squeeze %dma_start3A_44 : memref<1x624x16xf32, #tpu.memory_space<hbm>> -> memref<624x16xf32, #tpu.memory_space<hbm>>
      %dma_start3A_46 = arith.constant 0 : i32
      %dma_start3A_47 = arith.constant 0 : i32
      %dma_start3A_48 = tpu.memref_slice %arg9[%dma_start3A_46, %dma_start3A_47] : memref<640x16xf32, #tpu.memory_space<vmem>> -> memref<624x16xf32, #tpu.memory_space<vmem>>
      tpu.enqueue_dma source(%dma_start3A_48 : memref<624x16xf32, #tpu.memory_space<vmem>>) target(%dma_start3A_45 : memref<624x16xf32, #tpu.memory_space<hbm>>) target_semaphore(%run_scoped3A : memref<!tpu.dma_semaphore, #tpu.memory_space<semaphore_mem>>)
      %dma_wait3A = arith.constant 0 : i32
      %dma_wait3A_49 = arith.constant 0 : i32
      %dma_wait3A_50 = tpu.memref_slice %arg9[%dma_wait3A, %dma_wait3A_49] : memref<640x16xf32, #tpu.memory_space<vmem>> -> memref<624x16xf32, #tpu.memory_space<vmem>>
      %dma_wait3A_51 = arith.constant 0 : i32
      %dma_wait3A_52 = tpu.memref_slice %arg4[%arg0, %mul3A_20, %dma_wait3A_51] : memref<2x10000x16xf32, #tpu.memory_space<hbm>> -> memref<1x624x16xf32, #tpu.memory_space<hbm>>
      %dma_wait3A_53 = tpu.memref_squeeze %dma_wait3A_52 : memref<1x624x16xf32, #tpu.memory_space<hbm>> -> memref<624x16xf32, #tpu.memory_space<hbm>>
      %dma_wait3A_54 = arith.constant 0 : i32
      %dma_wait3A_55 = tpu.memref_slice %arg4[%arg0, %mul3A_20, %dma_wait3A_54] : memref<2x10000x16xf32, #tpu.memory_space<hbm>> -> memref<1x624x16xf32, #tpu.memory_space<hbm>>
      %dma_wait3A_56 = tpu.memref_squeeze %dma_wait3A_55 : memref<1x624x16xf32, #tpu.memory_space<hbm>> -> memref<624x16xf32, #tpu.memory_space<hbm>>
      %dma_wait3A_57 = arith.constant 0 : i32
      %dma_wait3A_58 = arith.constant 0 : i32
      %dma_wait3A_59 = tpu.memref_slice %arg9[%dma_wait3A_57, %dma_wait3A_58] : memref<640x16xf32, #tpu.memory_space<vmem>> -> memref<624x16xf32, #tpu.memory_space<vmem>>
      tpu.wait_dma2 semaphore(%run_scoped3A : memref<!tpu.dma_semaphore, #tpu.memory_space<semaphore_mem>>) src(%dma_wait3A_59 : memref<624x16xf32, #tpu.memory_space<vmem>>) dst(%dma_wait3A_56 : memref<624x16xf32, #tpu.memory_space<hbm>>)
      tpu.yield
    }) : () -> ()
    %eq3A_33 = arith.constant 15 : i32
    %eq3A_34 = arith.cmpi eq, %arg1, %eq3A_33 : i32
    %convert_element_type3A_35 = arith.extui %eq3A_34 : i1 to i32
    %cond3A_36 = arith.constant 0 : i32
    %cond3A_37 = arith.cmpi ne, %convert_element_type3A_35, %cond3A_36 : i32
    scf.if %cond3A_37 {
      "tpu.region"() ({
        %run_scoped3A = tpu.sem_alloc : memref<!tpu.dma_semaphore, #tpu.memory_space<semaphore_mem>>
        %dma_start3A = arith.constant 624 : i32
        %dma_start3A_38 = arith.constant 0 : i32
        %dma_start3A_39 = tpu.memref_slice %arg9[%dma_start3A, %dma_start3A_38] : memref<640x16xf32, #tpu.memory_space<vmem>> -> memref<16x16xf32, #tpu.memory_space<vmem>>
        %dma_start3A_40 = arith.constant 9984 : i32
        %dma_start3A_41 = arith.constant 0 : i32
        %dma_start3A_42 = tpu.memref_slice %arg4[%arg0, %dma_start3A_40, %dma_start3A_41] : memref<2x10000x16xf32, #tpu.memory_space<hbm>> -> memref<1x16x16xf32, #tpu.memory_space<hbm>>
        %dma_start3A_43 = tpu.memref_squeeze %dma_start3A_42 : memref<1x16x16xf32, #tpu.memory_space<hbm>> -> memref<16x16xf32, #tpu.memory_space<hbm>>
        %dma_start3A_44 = arith.constant 9984 : i32
        %dma_start3A_45 = arith.constant 0 : i32
        %dma_start3A_46 = tpu.memref_slice %arg4[%arg0, %dma_start3A_44, %dma_start3A_45] : memref<2x10000x16xf32, #tpu.memory_space<hbm>> -> memref<1x16x16xf32, #tpu.memory_space<hbm>>
        %dma_start3A_47 = tpu.memref_squeeze %dma_start3A_46 : memref<1x16x16xf32, #tpu.memory_space<hbm>> -> memref<16x16xf32, #tpu.memory_space<hbm>>
        %dma_start3A_48 = arith.constant 624 : i32
        %dma_start3A_49 = arith.constant 0 : i32
        %dma_start3A_50 = tpu.memref_slice %arg9[%dma_start3A_48, %dma_start3A_49] : memref<640x16xf32, #tpu.memory_space<vmem>> -> memref<16x16xf32, #tpu.memory_space<vmem>>
        tpu.enqueue_dma source(%dma_start3A_50 : memref<16x16xf32, #tpu.memory_space<vmem>>) target(%dma_start3A_47 : memref<16x16xf32, #tpu.memory_space<hbm>>) target_semaphore(%run_scoped3A : memref<!tpu.dma_semaphore, #tpu.memory_space<semaphore_mem>>)
        %dma_wait3A = arith.constant 624 : i32
        %dma_wait3A_51 = arith.constant 0 : i32
        %dma_wait3A_52 = tpu.memref_slice %arg9[%dma_wait3A, %dma_wait3A_51] : memref<640x16xf32, #tpu.memory_space<vmem>> -> memref<16x16xf32, #tpu.memory_space<vmem>>
        %dma_wait3A_53 = arith.constant 9984 : i32
        %dma_wait3A_54 = arith.constant 0 : i32
        %dma_wait3A_55 = tpu.memref_slice %arg4[%arg0, %dma_wait3A_53, %dma_wait3A_54] : memref<2x10000x16xf32, #tpu.memory_space<hbm>> -> memref<1x16x16xf32, #tpu.memory_space<hbm>>
        %dma_wait3A_56 = tpu.memref_squeeze %dma_wait3A_55 : memref<1x16x16xf32, #tpu.memory_space<hbm>> -> memref<16x16xf32, #tpu.memory_space<hbm>>
        %dma_wait3A_57 = arith.constant 9984 : i32
        %dma_wait3A_58 = arith.constant 0 : i32
        %dma_wait3A_59 = tpu.memref_slice %arg4[%arg0, %dma_wait3A_57, %dma_wait3A_58] : memref<2x10000x16xf32, #tpu.memory_space<hbm>> -> memref<1x16x16xf32, #tpu.memory_space<hbm>>
        %dma_wait3A_60 = tpu.memref_squeeze %dma_wait3A_59 : memref<1x16x16xf32, #tpu.memory_space<hbm>> -> memref<16x16xf32, #tpu.memory_space<hbm>>
        %dma_wait3A_61 = arith.constant 624 : i32
        %dma_wait3A_62 = arith.constant 0 : i32
        %dma_wait3A_63 = tpu.memref_slice %arg9[%dma_wait3A_61, %dma_wait3A_62] : memref<640x16xf32, #tpu.memory_space<vmem>> -> memref<16x16xf32, #tpu.memory_space<vmem>>
        tpu.wait_dma2 semaphore(%run_scoped3A : memref<!tpu.dma_semaphore, #tpu.memory_space<semaphore_mem>>) src(%dma_wait3A_63 : memref<16x16xf32, #tpu.memory_space<vmem>>) dst(%dma_wait3A_60 : memref<16x16xf32, #tpu.memory_space<hbm>>)
        tpu.yield
      }) : () -> ()
    } else {
    }
    return
  }
}

</mosaic_0001>

<sc_bundles>
// kernel: _sc_deg.3.cloned.1.call-start
scs
__scs_entry_jumppad:
0x0: {  	(pc) =	sbr.rel $0x88, $3  }
0x1: {  	(tag) =	ssettag $0x0;
	lr =	simm.s32 $0x1  }
0x2: {  	[smem:$0x3F9F] =	sst lr;
	_ =	strace $0xD0000000  }
0x3: {  	_ = 	snop  }
0x4: {  	_ = 	snop  }
0x5: {  	_ = 	snop  }
0x6: {  	_ = 	snop  }
0x7: {  	_ = 	snop  }
__scs_overlays_trampoline_lowered:
0x8: {  	[smem:$0x3FAE] =	sst s0  }
0x9: {  	[smem:$0x3FAF] =	sst s1  }
0xa: {  	[smem:$0x3FB0] =	sst s2  }
0xb: {  	[smem:$0x3FB1] =	sst s3  }
0xc: {  	[smem:$0x3FB2] =	sst s4  }
0xd: {  	[smem:$0x3FB3] =	sst s5  }
0xe: {  	[smem:$0x3FB4] =	sst s6  }
0xf: {  	[smem:$0x3FB5] =	sst s7  }
0x10: {  	[smem:$0x3FB6] =	sst s8  }
0x11: {  	[smem:$0x3FB7] =	sst s9;
	s0 =	simm.s32 @!p0 $0x0  }
0x12: {  	s1 =	sld [smem:$0x3F9D];
	s0 =	simm.s32 @p0 $0x1  }
0x13: {  	[smem:$0x3FB8] =	sst s0;
	s0 =	simm.s32 @!p1 $0x0  }
0x14: {  	s2 =	sld [smem:$0x3F9C];
	s0 =	simm.s32 @p1 $0x1  }
0x15: {  	[smem:$0x3FB9] =	sst s0;
	s0 =	simm.s32 @!p2 $0x0  }
0x16: {  	s3 =	sld [smem:$0x3FDB];
	s0 =	simm.s32 @p2 $0x1  }
0x17: {  	s4 =	simm.s32 $0x1BF5;
	[smem:$0x3FBB] =	sst s0  }
0x18: {  	s0 =	sld [smem:$0x3F9E];
	_ =	swait.ge [sflag:s4], $0x0  }
0x19: {  	s7 =	sld [smem:$0x3F9F]  }
0x1a: {  	s8 =	sadd.s32 $0xFFFFE003, lr  }
0x1b: {  	s9 =	sadd.s32 $0xFFFFFEF7, lr;
	s5 =	simm.s32 $0xFFFFFFFF;
	p2 =	slt.u32 s8, $0xFFFFF086  }
0x1c: {  	p1 =	slt.u32 s9, $0xF7A;
	s5 =	simm.s32 @!p2 $0x0  }
0x1d: {  	s5 =	simm.s32 @p1 $0x1;
	p0 =	seq.s32 s7, s2  }
0x1e: {  	s7 =	smul.u32 @!p0 $0xF7A, s2;
	p2 =	seq.s32 @!p0 s5, $0x0  }
0x1f: {  	s9 =	smul.u32 $0xF7A, s1;
	s8 =	simm.s32 @!p0 $0x1BF5;
	p2 =	por !p2, p0  }
0x20: {  	[sflag:s8] =	ssyncset.s32 @!p0 $0xFFFFF086;
	s6 =	sadd.s32 @!p0 s3, s7;
	s7 =	simm.s32 @!p0 $0x108  }
0x21: {  	s3 =	sadd.s32 s3, s9;
	s6 =	sadd.s32 @!p0 $0x88, s6;
	s7 =	simm.s32 @p2 $0x1082  }
0x22: {  	[simem:s7], [sflag:s8] =	dma.local @!p0 [hbm:s6], $0xF7A  }
0x23: {  	s9 =	sor.u32 $0xD0000000, s2;
	s6 =	simm.s32 $0x108;
	_ =	swait.ge @!p0 [sflag:s8], $0x0  }
0x24: {  	s3 =	sadd.s32 $0x88, s3;
	s6 =	simm.s32 @!p1 $0x1082;
	[sflag:s4] =	ssyncset.s32 $0xFFFFF086  }
0x25: {  	[simem:s6], [sflag:s4] =	dma.local [hbm:s3], $0xF7A  }
0x26: {  	[smem:$0x3F9F] =	sst s1;
	(tag) =	ssettag s2;
	_ =	strace s9  }
0x27: {  	s1 =	sld [smem:$0x3FAF]  }
0x28: {  	s2 =	sld [smem:$0x3FB0]  }
0x29: {  	s4 =	sld [smem:$0x3FB2]  }
0x2a: {  	p0 =	seq.s32 s5, $0x0;
	s5 =	sld [smem:$0x3FB3]  }
0x2b: {  	s6 =	sld [smem:$0x3FB4]  }
0x2c: {  	s7 =	sld [smem:$0x3FB5]  }
0x2d: {  	s3 =	simm.s32 $0x108;
	s8 =	sld [smem:$0x3FB6]  }
0x2e: {  	s3 =	simm.s32 @!p0 $0x1082;
	s9 =	sld [smem:$0x3FB7]  }
0x2f: {  	lr =	sadd.s32 s0, s3;
	s0 =	sld [smem:$0x3FAE]  }
0x30: {  	s3 =	sld [smem:$0x3FB1]  }
0x31: {  	[smem:$0x3FBA] =	sst s10  }
0x32: {  	s10 =	sld [smem:$0x3FB8];
	_ =	sdelay $0x3  }
0x33: {  	p0 =	seq.s32 s10, $0x1;
	s10 =	sld [smem:$0x3FBA];
	_ =	sdelay $0x3  }
0x34: {  	[smem:$0x3FBA] =	sst s10  }
0x35: {  	s10 =	sld [smem:$0x3FB9];
	_ =	sdelay $0x3  }
0x36: {  	p1 =	seq.s32 s10, $0x1;
	s10 =	sld [smem:$0x3FBA];
	_ =	sdelay $0x3  }
0x37: {  	[smem:$0x3FBA] =	sst s10  }
0x38: {  	s10 =	sld [smem:$0x3FBB]  }
0x39: {  	_ = 	snop;
	(pc) =	sbr.ind lr, $3  }
0x3a: {  	_ = 	snop  }
0x3b: {  	_ = 	snop  }
0x3c: {  	p2 =	seq.s32 s10, $0x1;
	s10 =	sld [smem:$0x3FBA]  }
0x3d: {  	_ =	shalt  }
0x3e: {  	_ =	shalt  }
0x3f: {  	_ =	shalt  }
0x40: {  	_ =	shalt  }
0x41: {  	_ =	shalt  }
0x42: {  	_ =	shalt  }
0x43: {  	_ =	shalt  }
0x44: {  	_ =	shalt  }
0x45: {  	_ =	shalt  }
0x46: {  	_ =	shalt  }
0x47: {  	_ =	shalt  }
0x48: {  	_ =	shalt  }
0x49: {  	_ =	shalt  }
0x4a: {  	_ =	shalt  }
0x4b: {  	_ =	shalt  }
0x4c: {  	_ =	shalt  }
0x4d: {  	_ =	shalt  }
0x4e: {  	_ =	shalt  }
0x4f: {  	_ =	shalt  }
0x50: {  	_ =	shalt  }
0x51: {  	_ =	shalt  }
0x52: {  	_ =	shalt  }
0x53: {  	_ =	shalt  }
0x54: {  	_ =	shalt  }
0x55: {  	_ =	shalt  }
0x56: {  	_ =	shalt  }
0x57: {  	_ =	shalt  }
0x58: {  	_ =	shalt  }
0x59: {  	_ =	shalt  }
0x5a: {  	_ =	shalt  }
0x5b: {  	_ =	shalt  }
0x5c: {  	_ =	shalt  }
0x5d: {  	_ =	shalt  }
0x5e: {  	_ =	shalt  }
0x5f: {  	_ =	shalt  }
0x60: {  	_ =	shalt  }
0x61: {  	_ =	shalt  }
0x62: {  	_ =	shalt  }
0x63: {  	_ =	shalt  }
0x64: {  	_ =	shalt  }
0x65: {  	_ =	shalt  }
0x66: {  	_ =	shalt  }
0x67: {  	_ =	shalt  }
0x68: {  	_ =	shalt  }
0x69: {  	_ =	shalt  }
0x6a: {  	_ =	shalt  }
0x6b: {  	_ =	shalt  }
0x6c: {  	_ =	shalt  }
0x6d: {  	_ =	shalt  }
0x6e: {  	_ =	shalt  }
0x6f: {  	_ =	shalt  }
0x70: {  	_ =	shalt  }
0x71: {  	_ =	shalt  }
0x72: {  	_ =	shalt  }
0x73: {  	_ =	shalt  }
0x74: {  	_ =	shalt  }
0x75: {  	_ =	shalt  }
0x76: {  	_ =	shalt  }
0x77: {  	_ =	shalt  }
0x78: {  	_ =	shalt  }
0x79: {  	_ =	shalt  }
0x7a: {  	_ =	shalt  }
0x7b: {  	_ =	shalt  }
0x7c: {  	_ =	shalt  }
0x7d: {  	_ =	shalt  }
0x7e: {  	_ =	shalt  }
0x7f: {  	_ =	shalt  }
0x80: {  	_ =	shalt  }
0x81: {  	_ =	shalt  }
0x82: {  	_ =	shalt  }
0x83: {  	_ =	shalt  }
0x84: {  	_ =	shalt  }
0x85: {  	_ =	shalt  }
0x86: {  	_ =	shalt  }
0x87: {  	_ =	shalt  }
.Lfunc_end0:
.L_simem_size_0:
called_computation_lowered:
.L_overlay_start_0:
0x88: {  	s2 =	sld [smem:$0x3FD9]  }
0x89: {  	s3 =	sld [smem:$0x3FFE];
	_ =	sdelay $0x1  }
0x8a: {  	s1 =	srdreg.scid  }
0x8b: {  	s0 =	sand.u32 $0x1, s1  }
0x8c: {  	s18 =	sshll.u32 s0, $0xA;
	s2 =	sadd.s32 s3, s2  }
0x8d: {  	s2 =	sadd.s32 s2, s18  }
0x8e: {  	[smem:$0x3FC6] =	sst s2  }
0x8f: {  	_ = 	snop  }
0x90: {  	s2 =	sld [smem:$0x3FC9]  }
0x91: {  	s19 =	sld [smem:$0x3FC8]  }
0x92: {  	s4 =	sld [smem:$0x3FD0];
	(tm) =	ssettm $0x1  }
0x93: {  	s5 =	sld [smem:$0x3FFB];
	_ =	sdelay $0x3  }
0x94: {  	_ =	strace s5  }
0x95: {  	s5 =	sld [smem:$0x3FFC];
	_ =	sdelay $0x3  }
0x96: {  	_ =	strace s5  }
0x97: {  	s5 =	sld [smem:$0x3FFD];
	_ =	sdelay $0x3  }
0x98: {  	_ =	strace s5  }
0x99: {  	_ =	strace $0x8FFFFFFF  }
0x9a: {  	s20 =	sld [smem:$0x3FDB];
	_ =	sdelay $0x1  }
0x9b: {  	s6 =	simm.s32 $_scs_section_size  }
0x9c: {  	s7 =	simm.s32 $_size__tile_overlayer_lowered;
	s8 =	simm.s32 $_tile_overlayer_lowered  }
0x9d: {  	s23 =	simm.s32 $0x1BFF;
	s22 =	sshll.u32 s8, $0x1;
	s5 =	sadd.s32 s6, s20  }
0x9e: {  	s9 =	simm.s32 $0x0;
	s21 =	sshll.u32 s7, $0x1;
	s7 =	sadd.s32 s22, s5  }
0x9f: {  	[timem:s9], [sflag:s23] =	dma.local [hbm:s7], s21  }
0xa0: {  	_ =	swait.ge [sflag:s23], s21  }
0xa1: {  	s6 =	ssub.s32 $0x0, s21;
	[sflag:s23] =	ssyncset.done $0x0  }
0xa2: {  	[sflag:s23] =	ssyncadd.s32 s6;
	_ =	sdelay $0x1  }
0xa3: {  	s24 =	simm.s32 $0x1B8B  }
0xa4: {  	_ =	swait.ge [sflag:s24], $0x1  }
0xa5: {  	[sflag:s24] =	ssyncset.done $0x0  }
0xa6: {  	s25 =	simm.s32 $0x1B8E;
	[sflag:s24] =	ssyncadd.s32 $0xFFFFFFFF  }
0xa7: {  	s26 =	simm.s32 $execute0_lowered;
	[smem:$0x3FD2] =	sst s25  }
0xa8: {  	s6 =	sshll.u32 s26, $0x1;
	_ =	strace $0x80000046;
	[dreg:$0x1] =	wrdreg $0xFFFFFFFF  }
0xa9: {  	s28 =	simm.s32 $_size_execute0_lowered;
	s5 =	sadd.s32 s5, s6;
	[dreg:$0x0] =	wrdreg $0x0  }
0xaa: {  	s6 =	sshll.u32 s28, $0x1;
	[dreg:$0x2] =	wrdreg s5  }
0xab: {  	[dreg:$0x3] =	wrdreg s6  }
0xac: {  	[dreg:$0x4] =	wrdreg $0xC0  }
0xad: {  	_ =	task [dreg:s9], $0x5FFFF  }
0xae: {  	[dreg:$0x1] =	wrdreg $0xFFFFFFFF  }
0xaf: {  	[dreg:$0x0] =	wrdreg $0x60  }
0xb0: {  	[dreg:$0x2] =	wrdreg s2  }
0xb1: {  	[dreg:$0x3] =	wrdreg s19  }
0xb2: {  	[dreg:$0x4] =	wrdreg s4  }
0xb3: {  	[dreg:$0x5] =	wrdreg $0xC5300  }
0xb4: {  	[dreg:$0x6] =	wrdreg $0x9  }
0xb5: {  	_ =	task.clear_ibuf [dreg:s9], $0x7FFFF;
	_ =	strace $0x90000046  }
0xb6: {  	s29 =	simm.s32 $0x9;
	_ =	strace $0x80000048  }
0xb7: {  	_ =	swait.ge [sflag:s29], $0x1  }
0xb8: {  	[sflag:s29] =	ssyncadd.s32 $0xFFFFFFFF  }
0xb9: {  	_ =	strace $0x90000048  }
0xba: {  	_ =	sfence  }
0xbb: {  	s30 =	sld [smem:$0x0];
	_ =	sdelay $0x2  }
0xbc: {  	s31 =	sshll.u32 s1, $0xD;
	s1 =	sshrl.u32 s1, $0x2  }
0xbd: {  	s3 =	sand.u32 $0x4000, s31;
	s1 =	sadd.s32 s1, s30  }
0xbe: {  	s0 =	sor.u32 s3, s0;
	s1 =	sshll.u32 s1, $0x11  }
0xbf: {  	s0 =	sor.u32 s1, s0  }
0xc0: {  	s0 =	sadd.s32 $0x8F2B, s0  }
0xc1: {  	[sflag:s0] =	ssyncadd.remote.s32 $0x1  }
0xc2: {  	_ =	sfence.sel $0xFFFF  }
0xc3: {  	[dreg:$0x0] =	wrdreg $0xFFFFFFFF;
	(pc) =	sbr.abs _section_cstart, $3  }
0xc4: {  	[dreg:$0x1] =	wrdreg $0xFFFFFFFF  }
0xc5: {  	_ =	task.clear_ibuf [dreg:s9], $0x2FFFF;
	_ =	strace $0x9FFFFFFF  }
0xc6: {  	(tm) =	ssettm $0x7FFFFFFF  }
0xc7: {  	_ =	shalt  }
tec
execute0_lowered:
.L_overlay_start_1:
0x0: {  	(tag) =	ssettag $0x1  }
0x1: {  	s1 =	rddreg [dreg:$0x0]  }
0x2: {  	s2 =	rddreg [dreg:$0x1]  }
0x3: {  	s4 =	rddreg [dreg:$0x2]  }
0x4: {  	s0 =	srdreg.scid;
	s5 =	rddreg [dreg:$0x3];
	s9 =	simm.s32 $0x0  }
0x5: {  	s10 =	stileid.u32;
	[smem:$0x7FF] =	sst s9;
	s16 =	sadd.s32 $0x2700, s5  }
0x6: {  	s18 =	sadd.s32 $0x4E10, s5;
	_ =	strace $0x80000047;
	[dreg:$0x8] =	wrdreg s16  }
0x7: {  	s0 =	sand.u32 $0x1, s0;
	s19 =	sadd.s32 $0x7520, s5;
	[dreg:$0xb] =	wrdreg s18  }
0x8: {  	s6 =	smul.u32 $0x9C40, s10;
	s20 =	sadd.s32 $0x9C30, s5;
	[dreg:$0xc] =	wrdreg s19  }
0x9: {  	s8 =	smul.u32 $0x9C0, s10;
	s21 =	sadd.s32 $0xC340, s5;
	[dreg:$0xd] =	wrdreg s20  }
0xa: {  	s26 =	smul.u32 $0x2700, s10;
	s22 =	sadd.s32 $0xEA50, s5;
	[dreg:$0xe] =	wrdreg s21  }
0xb: {  	s23 =	sadd.s32 $0x11160, s5;
	s24 =	sadd.s32 $0x13870, s5;
	[dreg:$0xf] =	wrdreg s22  }
0xc: {  	p0 =	sne.s32 s10, $0xF;
	s3 =	sshll.u32 s0, $0x4;
	[dreg:$0x10] =	wrdreg s23  }
0xd: {  	s7 =	ssub.s32 $0x2, s0;
	s0 =	smul.u32 $0x27100, s0;
	[dreg:$0x11] =	wrdreg s24  }
0xe: {  	s20 =	sadd.s32 $0x1ADA0, s5;
	s21 =	sadd.s32 $0x1D4B0, s5;
	s22 =	sadd.s32 $0x1FBC0, s5  }
0xf: {  	s23 =	sadd.s32 $0x222D0, s5;
	s24 =	sadd.s32 $0x249E0, s5;
	s3 =	sor.u32 s10, s3  }
0x10: {  	s25 =	sshrl.u32 s7, $0x1;
	s12 =	sshrl.u32 s6, $0x2;
	s13 =	sshrl.u32 s8, $0x2  }
0x11: {  	s3 =	smul.u32 $0x4E2, s3;
	s7 =	ssub.s32 s7, s25;
	s14 =	sadd.s32 s26, s0  }
0x12: {  	s6 =	sadd.s32 s13, s5;
	s0 =	sshrl.u32 s0, $0x3;
	s25 =	sadd.s32 $0x15F80, s5  }
0x13: {  	s26 =	sadd.s32 $0x18690, s5;
	s13 =	simm.s32 $0x4E20;
	s15 =	sshrl.u32 s14, $0x3  }
0x14: {  	s0 =	sadd.s32 s4, s0;
	s17 =	smax.u32 s7, $0x1;
	[dreg:$0x12] =	wrdreg s25  }
0x15: {  	[dreg:$0x13] =	wrdreg s26;
	s25 =	sadd.s32 $0x270F0, s5;
	s26 =	sadd.s32 $0x2710, s6  }
0x16: {  	s28 =	sadd.s32 $0x4E20, s6;
	s29 =	sadd.s32 $0x7530, s6;
	s30 =	sadd.s32 $0x9C40, s6  }
0x17: {  	s31 =	sadd.s32 $0xC350, s6;
	s7 =	sadd.s32 $0x1D4C0, s6;
	s9 =	sadd.s32 $0x1FBD0, s6  }
0x18: {  	s10 =	sadd.s32 $0x222E0, s6;
	s14 =	simm.s32 $0x9D30;
	s1 =	sadd.s32 s1, s3  }
0x19: {  	s11 =	sadd.s32 s2, s3;
	s8 =	sadd.s32 s4, s15;
	[dreg:$0xa] =	wrdreg s17  }
0x1a: {  	s0 =	sadd.s32 $0x4E00, s0;
	s2 =	sadd.s32 $0x13880, s6;
	[dreg:$0x5] =	wrdreg s1  }
0x1b: {  	s3 =	sadd.s32 $0x15F90, s6;
	s4 =	sadd.s32 $0x186A0, s6;
	[dreg:$0x6] =	wrdreg s11  }
0x1c: {  	s15 =	simm.s32 $0x0;
	s1 =	sadd.s32 s12, s5;
	[dreg:$0x9] =	wrdreg s0  }
0x1d: {  	v1 =	vlaneseq.u32;
	s0 =	sadd.s32 $0x11170, s6;
	s5 =	sadd.s32 $0x1ADB0, s6;
	s11 =	sadd.s32 $0x249F0, s6  }
0x1e: {  	v0 =	vimm.f32 $0.0e+00;
	v1 =	vmul.u32 $0x10, v1;
	s12 =	simm.s32 $0x1;
	[dreg:$0x7] =	wrdreg s1;
	s1 =	sadd.s32 $0xEA60, s6  }
.LBB2_1:
0x1f: {  	s16 =	simm.s32 $0x0  }
.LBB2_2:
0x20: {  	p1 =	sne.s32 s16, $0x9C00  }
.Ltmp0:
0x21: {  	_ = 	snop;
	(pc) =	sbr.rel @p1 .LBB2_2-.Ltmp0, $3  }
0x22: {  	_ =	sdelay $0x1  }
0x23: {  	s17 =	sshra.s32 s16, $0x2  }
0x24: {  	s16 =	sadd.s32 $0x40, s16;
	[tilespmem:s17+$0x4E20] =	vst v0  }
0x25: {  	s16 =	simm.s32 $0x40;
	s17 =	simm.s32 $0x0  }
.LBB2_4:
0x26: {  	p1 =	sne.s32 s16, $0x9FC0;
	[tilespmem:s17+$0x9D30] =	vst v0;
	s17 =	smov.u32 s16;
	s16 =	sadd.s32 $0x40, s16  }
.Ltmp1:
0x27: {  	(pc) =	sbr.rel @p1 .LBB2_4-.Ltmp1, $2  }
0x28: {  	_ =	sdelay $0x2  }
0x29: {  	s17 =	sshra.s32 s17, $0x2  }
0x2a: {  	[tilespmem:s17+$0x9D30] =	vst v0;
	s16 =	simm.s32 $0x0;
	s18 =	rddreg [dreg:$0x5]  }
0x2b: {  	[tilespmem:s16], [sflag:$0x1] =	stream.linear.gather [hbm4b:s18+s16], $0x2710, $0x38;
	[tilespmem:$0xEC40] =	vst v63  }
0x2c: {  	_ =	swait.ge [sflag:s12], $0x2710  }
0x2d: {  	[sflag:s12] =	ssyncset.done $0x0  }
0x2e: {  	s18 =	simm.s32 $0x2710;
	s19 =	rddreg [dreg:$0x6];
	[sflag:s12] =	ssyncadd.s32 $0xFFFFD8F0  }
0x2f: {  	[tilespmem:s18], [sflag:$0x1] =	stream.linear.gather [hbm4b:s19+s16], $0x2710, $0x38;
	[tilespmem:$0xEC40] =	vst v63  }
0x30: {  	_ =	swait.ge [sflag:s12], $0x2710  }
0x31: {  	[sflag:s12] =	ssyncset.done $0x0  }
0x32: {  	s19 =	simm.s32 $0x20;
	[sflag:s12] =	ssyncadd.s32 $0xFFFFD8F0  }
0x33: {  	v2 =	vld [tilespmem:s19+$0x10];
	_ =	sdelay $0x1  }
0x34: {  	v3 =	vld [tilespmem:s19+$0xFFFFFFF0]  }
0x35: {  	v5 =	vld [tilespmem:s19+$0x0]  }
0x36: {  	s16 =	simm.s32 $0x2730;
	v8 =	vld [tilespmem:s19+$0xFFFFFFE0]  }
0x37: {  	v10 =	vld [tilespmem:s16+$0x10];
	v9 =	vshrl.u32 v2, $0x10  }
0x38: {  	v6 =	vld [tilespmem:s16+$0xFFFFFFF0]  }
0x39: {  	v7 =	vld [tilespmem:s16+$0x0];
	_ =	sdelay $0x1  }
0x3a: {  	v4 =	vld [tilespmem:s16+$0xFFFFFFE0]  }
0x3b: {  	s17 =	simm.s32 $0x0;
	s18 =	simm.s32 $0x60;
	v2 =	vshrl.u32 v3, $0x10;
	v3 =	vshrl.u32 v5, $0x10;
	v5 =	vshrl.u32 v8, $0x10;
	[tilespmem:v9+s13+$0x0] =	vst.idx.add.f32.msk $0xffff, v10  }
.LBB2_6:
0x3c: {  	v8 =	vld [tilespmem:s18+$0x10];
	s17 =	sadd.s32 $0x40, s17;
	v9 =	vmov v6  }
0x3d: {  	v6 =	vld [tilespmem:s18+$0xFFFFFFF0];
	p1 =	slt.u32 s17, $0x26C0;
	v10 =	vmov v7  }
0x3e: {  	v7 =	vld [tilespmem:s18+$0x0]  }
0x3f: {  	v11 =	vld [tilespmem:s18+$0xFFFFFFE0]  }
0x40: {  	s16 =	sadd.s32 $0x40, s16;
	[tilespmem:v5+s13+$0x0] =	vst.idx.add.f32.msk $0xffff, v4  }
0x41: {  	v8 =	vshrl.u32 v8, $0x10;
	v12 =	vld [tilespmem:s16+$0x10]  }
0x42: {  	v4 =	vld [tilespmem:s16+$0xFFFFFFE0];
	v13 =	vshrl.u32 v6, $0x10  }
.Ltmp2:
0x43: {  	v6 =	vld [tilespmem:s16+$0xFFFFFFF0];
	v14 =	vshrl.u32 v7, $0x10;
	(pc) =	sbr.rel @p1 .LBB2_6-.Ltmp2, $4  }
0x44: {  	v5 =	vshrl.u32 v11, $0x10;
	v7 =	vld [tilespmem:s16+$0x0]  }
0x45: {  	[tilespmem:v2+s13+$0x0] =	vst.idx.add.f32.msk $0xffff, v9;
	v2 =	vmov v13  }
0x46: {  	[tilespmem:v8+s13+$0x0] =	vst.idx.add.f32.msk $0xffff, v12  }
0x47: {  	s18 =	sadd.s32 $0x40, s18;
	[tilespmem:v3+s13+$0x0] =	vst.idx.add.f32.msk $0xffff, v10;
	v3 =	vmov v14  }
0x48: {  	_ =	sdelay $0x3  }
0x49: {  	[tilespmem:v5+s13+$0x0] =	vst.idx.add.f32.msk $0xffff, v4  }
0x4a: {  	[tilespmem:v2+s13+$0x0] =	vst.idx.add.f32.msk $0xffff, v6  }
0x4b: {  	[tilespmem:v3+s13+$0x0] =	vst.idx.add.f32.msk $0xffff, v7  }
0x4c: {  	v2 =	vld [tilespmem:$0x2700];
	_ =	sdelay $0x4  }
0x4d: {  	v3 =	vld [tilespmem:$0x4E10];
	v2 =	vshrl.u32 v2, $0x10;
	_ =	sdelay $0x4  }
0x4e: {  	s16 =	rddreg [dreg:$0x7];
	[tilespmem:v2+s13+$0x0] =	vst.idx.add.f32.msk $0xffff, v3  }
0x4f: {  	[spmem:s16] =	stream.linear.scatter [tilespmem:s13], [sflag:$0x1], $0x2710, $0x38;
	[tilespmem:$0xEC40] =	vst v63  }
0x50: {  	_ =	swait.ge [sflag:s12], $0x2710  }
0x51: {  	[sflag:s12] =	ssyncset.done $0x0  }
0x52: {  	[sflag:s12] =	ssyncadd.s32 $0xFFFFD8F0  }
0x53: {  	s19 =	simm.s32 $0x7530;
	[bflag:$0x0] =	sbarrier.arrive $0xFFFF  }
0x54: {  	[tilespmem:s19], [sflag:$0x1] =	stream.linear.gather [spmem:s6], $0x270, $0x38;
	[tilespmem:$0xEC40] =	vst v63  }
0x55: {  	s17 =	simm.s32 $0x77B0  }
0x56: {  	[tilespmem:s17], [sflag:$0x1] =	stream.linear.gather [spmem:s26], $0x270, $0x38;
	[tilespmem:$0xEC40] =	vst v63  }
0x57: {  	s18 =	simm.s32 $0x7A30  }
0x58: {  	[tilespmem:s18], [sflag:$0x1] =	stream.linear.gather [spmem:s28], $0x270, $0x38;
	[tilespmem:$0xEC40] =	vst v63  }
0x59: {  	s19 =	simm.s32 $0x7CB0  }
0x5a: {  	[tilespmem:s19], [sflag:$0x1] =	stream.linear.gather [spmem:s29], $0x270, $0x38;
	[tilespmem:$0xEC40] =	vst v63  }
0x5b: {  	s17 =	simm.s32 $0x7F30  }
0x5c: {  	[tilespmem:s17], [sflag:$0x1] =	stream.linear.gather [spmem:s30], $0x270, $0x38;
	[tilespmem:$0xEC40] =	vst v63  }
0x5d: {  	s18 =	simm.s32 $0x81B0  }
0x5e: {  	[tilespmem:s18], [sflag:$0x1] =	stream.linear.gather [spmem:s31], $0x270, $0x38;
	[tilespmem:$0xEC40] =	vst v63  }
0x5f: {  	s19 =	simm.s32 $0x8430  }
0x60: {  	[tilespmem:s19], [sflag:$0x1] =	stream.linear.gather [spmem:s1], $0x270, $0x38;
	[tilespmem:$0xEC40] =	vst v63  }
0x61: {  	s17 =	simm.s32 $0x86B0  }
0x62: {  	[tilespmem:s17], [sflag:$0x1] =	stream.linear.gather [spmem:s0], $0x270, $0x38;
	[tilespmem:$0xEC40] =	vst v63  }
0x63: {  	s18 =	simm.s32 $0x8930  }
0x64: {  	[tilespmem:s18], [sflag:$0x1] =	stream.linear.gather [spmem:s2], $0x270, $0x38;
	[tilespmem:$0xEC40] =	vst v63  }
0x65: {  	s19 =	simm.s32 $0x8BB0  }
0x66: {  	[tilespmem:s19], [sflag:$0x1] =	stream.linear.gather [spmem:s3], $0x270, $0x38;
	[tilespmem:$0xEC40] =	vst v63  }
0x67: {  	s17 =	simm.s32 $0x8E30  }
0x68: {  	[tilespmem:s17], [sflag:$0x1] =	stream.linear.gather [spmem:s4], $0x270, $0x38;
	[tilespmem:$0xEC40] =	vst v63  }
0x69: {  	s18 =	simm.s32 $0x90B0  }
0x6a: {  	[tilespmem:s18], [sflag:$0x1] =	stream.linear.gather [spmem:s5], $0x270, $0x38;
	[tilespmem:$0xEC40] =	vst v63  }
0x6b: {  	s19 =	simm.s32 $0x9330  }
0x6c: {  	[tilespmem:s19], [sflag:$0x1] =	stream.linear.gather [spmem:s7], $0x270, $0x38;
	[tilespmem:$0xEC40] =	vst v63  }
0x6d: {  	s17 =	simm.s32 $0x95B0  }
0x6e: {  	[tilespmem:s17], [sflag:$0x1] =	stream.linear.gather [spmem:s9], $0x270, $0x38;
	[tilespmem:$0xEC40] =	vst v63  }
0x6f: {  	s18 =	simm.s32 $0x9830  }
0x70: {  	[tilespmem:s18], [sflag:$0x1] =	stream.linear.gather [spmem:s10], $0x270, $0x38;
	[tilespmem:$0xEC40] =	vst v63  }
0x71: {  	s19 =	simm.s32 $0x9AB0  }
0x72: {  	[tilespmem:s19], [sflag:$0x1] =	stream.linear.gather [spmem:s11], $0x270, $0x38;
	[tilespmem:$0xEC40] =	vst v63  }
0x73: {  	_ =	swait.ge [sflag:s12], $0x2700  }
0x74: {  	[sflag:s12] =	ssyncset.done $0x0  }
0x75: {  	s16 =	simm.s32 @!p0 $0x77A0;
	s17 =	rddreg [dreg:$0x8];
	[sflag:s12] =	ssyncadd.s32 $0xFFFFD900  }
0x76: {  	[tilespmem:s16], [sflag:$0x1] =	stream.linear.gather @!p0 [spmem:s17], $0x10, $0x38;
	[tilespmem:$0xEC40] =	vst v63  }
0x77: {  	s16 =	simm.s32 @!p0 $0x7A20;
	s17 =	rddreg [dreg:$0xb]  }
0x78: {  	[tilespmem:s16], [sflag:$0x1] =	stream.linear.gather @!p0 [spmem:s17], $0x10, $0x38;
	[tilespmem:$0xEC40] =	vst v63  }
0x79: {  	s16 =	simm.s32 @!p0 $0x7CA0;
	s17 =	rddreg [dreg:$0xc]  }
0x7a: {  	[tilespmem:s16], [sflag:$0x1] =	stream.linear.gather @!p0 [spmem:s17], $0x10, $0x38;
	[tilespmem:$0xEC40] =	vst v63  }
0x7b: {  	s16 =	simm.s32 @!p0 $0x7F20;
	s17 =	rddreg [dreg:$0xd]  }
0x7c: {  	[tilespmem:s16], [sflag:$0x1] =	stream.linear.gather @!p0 [spmem:s17], $0x10, $0x38;
	[tilespmem:$0xEC40] =	vst v63  }
0x7d: {  	s16 =	simm.s32 @!p0 $0x81A0;
	s17 =	rddreg [dreg:$0xe]  }
0x7e: {  	[tilespmem:s16], [sflag:$0x1] =	stream.linear.gather @!p0 [spmem:s17], $0x10, $0x38;
	[tilespmem:$0xEC40] =	vst v63  }
0x7f: {  	s16 =	simm.s32 @!p0 $0x8420;
	s17 =	rddreg [dreg:$0xf]  }
0x80: {  	[tilespmem:s16], [sflag:$0x1] =	stream.linear.gather @!p0 [spmem:s17], $0x10, $0x38;
	[tilespmem:$0xEC40] =	vst v63  }
0x81: {  	s16 =	simm.s32 @!p0 $0x86A0;
	s17 =	rddreg [dreg:$0x10]  }
0x82: {  	[tilespmem:s16], [sflag:$0x1] =	stream.linear.gather @!p0 [spmem:s17], $0x10, $0x38;
	[tilespmem:$0xEC40] =	vst v63  }
0x83: {  	s16 =	simm.s32 @!p0 $0x8920;
	s17 =	rddreg [dreg:$0x11]  }
0x84: {  	[tilespmem:s16], [sflag:$0x1] =	stream.linear.gather @!p0 [spmem:s17], $0x10, $0x38;
	[tilespmem:$0xEC40] =	vst v63  }
0x85: {  	s16 =	simm.s32 @!p0 $0x8BA0;
	s17 =	rddreg [dreg:$0x12]  }
0x86: {  	[tilespmem:s16], [sflag:$0x1] =	stream.linear.gather @!p0 [spmem:s17], $0x10, $0x38;
	[tilespmem:$0xEC40] =	vst v63  }
0x87: {  	s16 =	simm.s32 @!p0 $0x8E20;
	s17 =	rddreg [dreg:$0x13]  }
0x88: {  	[tilespmem:s16], [sflag:$0x1] =	stream.linear.gather @!p0 [spmem:s17], $0x10, $0x38;
	[tilespmem:$0xEC40] =	vst v63  }
0x89: {  	s16 =	simm.s32 @!p0 $0x90A0  }
0x8a: {  	[tilespmem:s16], [sflag:$0x1] =	stream.linear.gather @!p0 [spmem:s20], $0x10, $0x38;
	[tilespmem:$0xEC40] =	vst v63  }
0x8b: {  	s16 =	simm.s32 @!p0 $0x9320  }
0x8c: {  	[tilespmem:s16], [sflag:$0x1] =	stream.linear.gather @!p0 [spmem:s21], $0x10, $0x38;
	[tilespmem:$0xEC40] =	vst v63  }
0x8d: {  	s16 =	simm.s32 @!p0 $0x95A0  }
0x8e: {  	[tilespmem:s16], [sflag:$0x1] =	stream.linear.gather @!p0 [spmem:s22], $0x10, $0x38;
	[tilespmem:$0xEC40] =	vst v63  }
0x8f: {  	s16 =	simm.s32 @!p0 $0x9820  }
0x90: {  	[tilespmem:s16], [sflag:$0x1] =	stream.linear.gather @!p0 [spmem:s23], $0x10, $0x38;
	[tilespmem:$0xEC40] =	vst v63  }
0x91: {  	s16 =	simm.s32 @!p0 $0x9AA0  }
0x92: {  	[tilespmem:s16], [sflag:$0x1] =	stream.linear.gather @!p0 [spmem:s24], $0x10, $0x38;
	[tilespmem:$0xEC40] =	vst v63  }
0x93: {  	s16 =	simm.s32 @!p0 $0x9D20  }
0x94: {  	[tilespmem:s16], [sflag:$0x1] =	stream.linear.gather @!p0 [spmem:s25], $0x10, $0x38;
	[tilespmem:$0xEC40] =	vst v63  }
0x95: {  	s16 =	simm.s32 @!p0 $0x1  }
0x96: {  	_ =	swait.ge @!p0 [sflag:s16], $0x100  }
0x97: {  	[sflag:s16] =	ssyncset.done @!p0 $0x0  }
0x98: {  	[sflag:s16] =	ssyncadd.s32 @!p0 $0xFFFFFF00;
	s16 =	simm.s32 $0x8930  }
0x99: {  	v2 =	vld [tilespmem:s16+$0xFFFFEE80]  }
0x9a: {  	s18 =	simm.s32 $0x10;
	s17 =	simm.s32 $0x0;
	v3 =	vld [tilespmem:s16+$0xFFFFEC00]  }
.LBB2_8:
0x9b: {  	p1 =	sne.s32 s18, $0x260  }
0x9c: {  	v4 =	vld [tilespmem:s16+$0xFFFFF100];
	_ =	sdelay $0x1  }
0x9d: {  	v5 =	vld [tilespmem:s16+$0xFFFFF380]  }
0x9e: {  	v2 =	vadd.f32 v2, v3  }
0x9f: {  	v3 =	vld [tilespmem:s16+$0xFFFFF600]  }
0xa0: {  	v2 =	vadd.f32 v4, v2  }
0xa1: {  	v4 =	vld [tilespmem:s16+$0xFFFFF880]  }
0xa2: {  	v2 =	vadd.f32 v5, v2  }
0xa3: {  	v5 =	vld [tilespmem:s16+$0xFFFFFB00]  }
0xa4: {  	v2 =	vadd.f32 v3, v2  }
0xa5: {  	v3 =	vld [tilespmem:s16+$0xFFFFFD80]  }
0xa6: {  	v2 =	vadd.f32 v4, v2  }
0xa7: {  	v4 =	vld [tilespmem:s16+$0x0]  }
0xa8: {  	v2 =	vadd.f32 v5, v2  }
0xa9: {  	v5 =	vld [tilespmem:s16+$0x280]  }
0xaa: {  	v2 =	vadd.f32 v3, v2  }
0xab: {  	v3 =	vld [tilespmem:s16+$0x500]  }
0xac: {  	v2 =	vadd.f32 v4, v2  }
0xad: {  	v4 =	vld [tilespmem:s16+$0x780]  }
0xae: {  	v2 =	vadd.f32 v5, v2  }
0xaf: {  	v5 =	vld [tilespmem:s16+$0xA00]  }
0xb0: {  	v2 =	vadd.f32 v3, v2  }
0xb1: {  	v3 =	vld [tilespmem:s16+$0xC80]  }
0xb2: {  	v2 =	vadd.f32 v4, v2  }
0xb3: {  	v4 =	vld [tilespmem:s16+$0xF00]  }
0xb4: {  	v2 =	vadd.f32 v5, v2  }
0xb5: {  	v6 =	vmov s17;
	s17 =	smov.u32 s18;
	v5 =	vld [tilespmem:s16+$0x1180]  }
0xb6: {  	v2 =	vadd.f32 v3, v2;
	v3 =	vshll.u32 v6, $0x4  }
0xb7: {  	v3 =	vor.u32 v1, v3  }
0xb8: {  	v2 =	vadd.f32 v4, v2;
	_ =	sdelay $0x1  }
.Ltmp3:
0xb9: {  	v2 =	vadd.f32 v5, v2;
	(pc) =	sbr.rel @p1 .LBB2_8-.Ltmp3, $4  }
0xba: {  	_ = 	snop  }
0xbb: {  	s16 =	sadd.s32 $0x10, s16;
	[tilespmem:v3+s14+$0x0] =	vst.idx.msk $0xffff, v2  }
0xbc: {  	v2 =	vld [tilespmem:s16+$0xFFFFEE80]  }
0xbd: {  	s18 =	sadd.s32 $0x10, s18;
	v3 =	vld [tilespmem:s16+$0xFFFFEC00]  }
0xbe: {  	_ = 	snop  }
0xbf: {  	v4 =	vld [tilespmem:s16+$0xFFFFF100];
	_ =	sdelay $0x1  }
0xc0: {  	v5 =	vld [tilespmem:s16+$0xFFFFF380]  }
0xc1: {  	v2 =	vadd.f32 v2, v3  }
0xc2: {  	v3 =	vld [tilespmem:s16+$0xFFFFF600]  }
0xc3: {  	v2 =	vadd.f32 v4, v2  }
0xc4: {  	v56 =	vld [tilespmem:s16+$0xFFFFF880]  }
0xc5: {  	v2 =	vadd.f32 v5, v2  }
0xc6: {  	v57 =	vld [tilespmem:s16+$0xFFFFFB00]  }
0xc7: {  	v2 =	vadd.f32 v3, v2  }
0xc8: {  	v3 =	vld [tilespmem:s16+$0xFFFFFD80]  }
0xc9: {  	v2 =	vadd.f32 v56, v2  }
0xca: {  	v58 =	vld [tilespmem:s16+$0x0]  }
0xcb: {  	v2 =	vadd.f32 v57, v2  }
0xcc: {  	v59 =	vld [tilespmem:s16+$0x280]  }
0xcd: {  	v2 =	vadd.f32 v3, v2  }
0xce: {  	v3 =	vld [tilespmem:s16+$0x500]  }
0xcf: {  	v2 =	vadd.f32 v58, v2  }
0xd0: {  	v60 =	vld [tilespmem:s16+$0x780]  }
0xd1: {  	v2 =	vadd.f32 v59, v2  }
0xd2: {  	v61 =	vld [tilespmem:s16+$0xA00]  }
0xd3: {  	v2 =	vadd.f32 v3, v2  }
0xd4: {  	v3 =	vld [tilespmem:s16+$0xC80]  }
0xd5: {  	v2 =	vadd.f32 v60, v2  }
0xd6: {  	v62 =	vld [tilespmem:s16+$0xF00]  }
0xd7: {  	v2 =	vadd.f32 v61, v2  }
0xd8: {  	v63 =	vld [tilespmem:s16+$0x1180];
	v6 =	vmov s17  }
0xd9: {  	v2 =	vadd.f32 v3, v2;
	v3 =	vshll.u32 v6, $0x4  }
0xda: {  	v3 =	vor.u32 v1, v3  }
0xdb: {  	v2 =	vadd.f32 v62, v2;
	_ =	sdelay $0x1  }
0xdc: {  	v2 =	vadd.f32 v63, v2;
	_ =	sdelay $0x1  }
0xdd: {  	s17 =	simm.s32 @p0 $0x9D30;
	s16 =	simm.s32 @p0 $0x0;
	[tilespmem:v3+s14+$0x0] =	vst.idx.msk $0xffff, v2  }
0xde: {  	[hbm4b:s8+s16] =	stream.linear.scatter @p0 [tilespmem:s17], [sflag:$0x1], $0x2700, $0x38;
	[tilespmem:$0xEC40] =	vst v63  }
0xdf: {  	s16 =	simm.s32 @p0 $0x1  }
0xe0: {  	_ =	swait.ge @p0 [sflag:s16], $0x2700  }
0xe1: {  	[sflag:s16] =	ssyncset.done @p0 $0x0  }
0xe2: {  	[sflag:s16] =	ssyncadd.s32 @p0 $0xFFFFD900  }
0xe3: {  	v2 =	vld @!p0 [tilespmem:$0x77A0]  }
0xe4: {  	v3 =	vld @!p0 [tilespmem:$0x7A20];
	_ =	sdelay $0x1  }
0xe5: {  	v4 =	vld @!p0 [tilespmem:$0x7CA0];
	_ =	sdelay $0x1  }
0xe6: {  	v5 =	vld @!p0 [tilespmem:$0x7F20]  }
0xe7: {  	v2 =	vadd.f32 @!p0 v3, v2  }
0xe8: {  	v3 =	vld @!p0 [tilespmem:$0x81A0]  }
0xe9: {  	v2 =	vadd.f32 @!p0 v4, v2  }
0xea: {  	v4 =	vld @!p0 [tilespmem:$0x8420]  }
0xeb: {  	v2 =	vadd.f32 @!p0 v5, v2  }
0xec: {  	v5 =	vld @!p0 [tilespmem:$0x86A0]  }
0xed: {  	v2 =	vadd.f32 @!p0 v3, v2  }
0xee: {  	v3 =	vld @!p0 [tilespmem:$0x8920]  }
0xef: {  	v2 =	vadd.f32 @!p0 v4, v2  }
0xf0: {  	v4 =	vld @!p0 [tilespmem:$0x8BA0]  }
0xf1: {  	v2 =	vadd.f32 @!p0 v5, v2  }
0xf2: {  	v5 =	vld @!p0 [tilespmem:$0x8E20]  }
0xf3: {  	v2 =	vadd.f32 @!p0 v3, v2  }
0xf4: {  	v3 =	vld @!p0 [tilespmem:$0x90A0]  }
0xf5: {  	v2 =	vadd.f32 @!p0 v4, v2  }
0xf6: {  	v4 =	vld @!p0 [tilespmem:$0x9320]  }
0xf7: {  	v2 =	vadd.f32 @!p0 v5, v2  }
0xf8: {  	v5 =	vld @!p0 [tilespmem:$0x95A0]  }
0xf9: {  	v2 =	vadd.f32 @!p0 v3, v2  }
0xfa: {  	v3 =	vld @!p0 [tilespmem:$0x9820]  }
0xfb: {  	v2 =	vadd.f32 @!p0 v4, v2  }
0xfc: {  	v4 =	vld @!p0 [tilespmem:$0x9AA0]  }
0xfd: {  	v2 =	vadd.f32 @!p0 v5, v2;
	v5 =	vlaneseq.u32 @!p0  }
0xfe: {  	v6 =	vld @!p0 [tilespmem:$0x9D20];
	v5 =	vmul.u32 @!p0 $0x10, v5  }
0xff: {  	v2 =	vadd.f32 @!p0 v3, v2  }
0x100: {  	v3 =	vor.u32 @!p0 $0x2700, v5  }
0x101: {  	v2 =	vadd.f32 @!p0 v4, v2;
	_ =	sdelay $0x1  }
0x102: {  	v2 =	vadd.f32 @!p0 v6, v2  }
0x103: {  	s16 =	simm.s32 @!p0 $0x9D30  }
0x104: {  	s17 =	simm.s32 @!p0 $0x0;
	[tilespmem:v3+s16+$0x0] =	vst.idx.msk @!p0 $0xffff, v2  }
0x105: {  	[hbm4b:s8+s17] =	stream.linear.scatter @!p0 [tilespmem:s16], [sflag:$0x1], $0x2700, $0x38;
	[tilespmem:$0xEC40] =	vst v63  }
0x106: {  	s16 =	simm.s32 @!p0 $0x1  }
0x107: {  	_ =	swait.ge @!p0 [sflag:s16], $0x2700  }
0x108: {  	[sflag:s16] =	ssyncset.done @!p0 $0x0  }
0x109: {  	s18 =	simm.s32 @!p0 $0xC430;
	s19 =	rddreg [dreg:$0x9];
	[sflag:s16] =	ssyncadd.s32 @!p0 $0xFFFFD900  }
0x10a: {  	[hbm4b:s19+s17] =	stream.linear.scatter @!p0 [tilespmem:s18], [sflag:$0x1], $0x100, $0x38;
	[tilespmem:$0xEC40] =	vst v63  }
0x10b: {  	_ =	swait.ge @!p0 [sflag:s16], $0x100  }
0x10c: {  	s15 =	sadd.s32 $0x1, s15;
	s19 =	rddreg [dreg:$0xa]  }
0x10d: {  	p1 =	sne.s32 s15, s19  }
.Ltmp4:
0x10e: {  	_ = 	snop;
	(pc) =	sbr.rel @p1 .LBB2_1-.Ltmp4, $3  }
0x10f: {  	_ =	sdelay $0x1  }
0x110: {  	[sflag:s16] =	ssyncset.done @!p0 $0x0  }
0x111: {  	[sflag:s16] =	ssyncadd.s32 @!p0 $0xFFFFFF00  }
0x112: {  	_ =	sfence.sel $0x180000  }
0x113: {  	[bflag:$0x0] =	sbarrier.arrive $0xFFFF  }
0x114: {  	_ =	strace $0x90000047  }
0x115: {  	s0 =	stileid.u32;
	[bflag:$0x2] =	sbarrier.arrive $0xFFFF  }
0x116: {  	p0 =	sne.s32 s0, $0x0;
	s0 =	rddreg [dreg:$0x4]  }
0x117: {  	s0 =	sadd.s32 @!p0 $0x100000, s0  }
0x118: {  	[sflag:s0] =	ssyncadd.tile.s32 @!p0 $0x1;
	_ =	shalt  }
.Lfunc_end2:
_tile_overlayer_lowered:
.L_overlay_start_2:
0x119: {  	(tag) =	ssettag $0x2  }
0x11a: {  	s0 =	rddreg [dreg:$0x0];
	s2 =	stileid.u32  }
0x11b: {  	s1 =	rddreg [dreg:$0x1];
	p0 =	sne.s32 s2, $0x0  }
0x11c: {  	s3 =	rddreg [dreg:$0x2];
	[bflag:$0x3] =	sbarrier.arrive $0xFFFF;
	s2 =	simm.s32 @!p0 $0x1C01  }
0x11d: {  	[timem:s3], [sflag:s2] =	dma.local @!p0 [hbm:s0], s1  }
0x11e: {  	s0 =	simm.s32 @!p0 $0x1  }
0x11f: {  	_ =	swait.ge @!p0 [sflag:s0], s1  }
0x120: {  	s1 =	ssub.s32 @!p0 $0x0, s1;
	[sflag:s0] =	ssyncset.done @!p0 $0x0  }
0x121: {  	[sflag:s0] =	ssyncadd.s32 @!p0 s1  }
0x122: {  	[bflag:$0x3] =	sbarrier.arrive $0xFFFF  }
0x123: {  	_ =	shalt  }

</sc_bundles>
